<compile_context>
chip_gen: v7x
topology: tpu7x:2x2x1
jax: 0.10.2.dev20260603
libtpu: 0.0.44.dev20260713+nightly
codegen_flags: <defaults>
</compile_context>

<pallas_src>
import jax
import jax.numpy as jnp
from jax import lax
from jax.experimental import pallas as pl
from jax.experimental.pallas import tpu as pltpu
from jax.experimental.pallas import tpu_sc as plsc

N_NODES = 10000
D = 256
DH = 128
NC = 2
NS = 16
B = 128
NB = 80
NH = 40
E_PAD = NS * NB * B
ACC_ROWS = 10112
ROWS_PER_TILE = ACC_ROWS // NS
DUMMY = N_NODES


def _sc_body(xcat, src_hbm, dst_hbm, h2, src_v, dst_v, buf0, buf1, acc,
             sem0, sem1, ssem0, ssem1):
    c = lax.axis_index("c")
    s = lax.axis_index("s")

    def zrow(r, _):
        for l in range(DH // 16):
            buf0[r, pl.ds(l * 16, 16)] = jnp.zeros((16,), jnp.float32)
        return 0
    lax.fori_loop(0, B, zrow, 0)
    base = s * ROWS_PER_TILE
    chunks = [B] * (ROWS_PER_TILE // B) + (
        [ROWS_PER_TILE % B] if ROWS_PER_TILE % B else [])
    for k, n in enumerate(chunks):
        pltpu.sync_copy(buf0.at[pl.ds(0, n)], acc.at[pl.ds(base + k * B, n)])
    plsc.subcore_barrier()

    def gath(j, buf, sem):
        return pltpu.make_async_copy(xcat.at[src_v.at[j]], buf, sem)

    def scat(j, buf, sem):
        return pltpu.make_async_copy(buf, acc.at[dst_v.at[j]], sem)

    for h in range(NB // NH):
        pltpu.sync_copy(src_hbm.at[c, s, pl.ds(h * NH, NH)], src_v)
        pltpu.sync_copy(dst_hbm.at[s, pl.ds(h * NH, NH)], dst_v)

        gath(0, buf0, sem0).start()
        gath(1, buf1, sem1).start()

        def pair(q, _):
            j0 = 2 * q
            j1 = j0 + 1

            @pl.when(q >= 1)
            def _():
                scat(j0 - 2, buf0, ssem0).wait()
                gath(j0, buf0, sem0).start()
                gath(j0 - 1, buf1, sem1).wait()
                scat(j0 - 1, buf1, ssem1).start(add=True)

                scat(j1 - 2, buf1, ssem1).wait()
                gath(j1, buf1, sem1).start()

            gath(j0, buf0, sem0).wait()
            scat(j0, buf0, ssem0).start(add=True)
            return 0
        lax.fori_loop(0, NH // 2, pair, 0)
        gath(NH - 1, buf1, sem1).wait()
        scat(NH - 1, buf1, ssem1).start(add=True)
        scat(NH - 2, buf0, ssem0).wait()
        scat(NH - 1, buf1, ssem1).wait()
    plsc.subcore_barrier()

    pltpu.sync_copy(acc.at[pl.ds(base, ROWS_PER_TILE)],
                    h2.at[c, pl.ds(base, ROWS_PER_TILE)])


@jax.jit
def _sc_segment_sum(xcat, src_idx, dst_idx):
    mesh = plsc.VectorSubcoreMesh(core_axis_name="c", subcore_axis_name="s")
    return pl.kernel(
        _sc_body,
        out_type=jax.ShapeDtypeStruct((NC, ACC_ROWS, DH), jnp.float32),
        mesh=mesh,
        scratch_types=[
            pltpu.VMEM((NH, B), jnp.int32),
            pltpu.VMEM((NH, B), jnp.int32),
            pltpu.VMEM((B, DH), jnp.float32),
            pltpu.VMEM((B, DH), jnp.float32),
            pltpu.VMEM_SHARED((ACC_ROWS, DH), jnp.float32),
            pltpu.SemaphoreType.DMA,
            pltpu.SemaphoreType.DMA,
            pltpu.SemaphoreType.DMA,
            pltpu.SemaphoreType.DMA,
        ],
    )(xcat, src_idx, dst_idx)


def _tc_linear_body(h_ref, wt_ref, b_ref, out_ref):
    h0 = h_ref[0]
    h1 = h_ref[1]
    out_ref[...] = (
        jnp.dot(h0, wt_ref[:DH, :], preferred_element_type=jnp.float32)
        + jnp.dot(h1, wt_ref[DH:, :], preferred_element_type=jnp.float32)
        + b_ref[...]
    )


@jax.jit
def _tc_linear(h2, wt, b2):
    bn = 400
    grid = (N_NODES // bn,)
    return pl.pallas_call(
        _tc_linear_body,
        grid=grid,
        in_specs=[
            pl.BlockSpec((NC, bn, DH), lambda i: (0, i, 0)),
            pl.BlockSpec((D, D), lambda i: (0, 0)),
            pl.BlockSpec((1, D), lambda i: (0, 0)),
        ],
        out_specs=pl.BlockSpec((bn, D), lambda i: (i, 0)),
        out_shape=jax.ShapeDtypeStruct((N_NODES, D), jnp.float32),
    )(h2, wt, b2)


def kernel(x, edge_index, W, b):
    src = edge_index[0].astype(jnp.int32)
    dst = edge_index[1].astype(jnp.int32)
    e = src.shape[0]
    pad = E_PAD - e
    srcp = jnp.concatenate([src, jnp.zeros((pad,), jnp.int32)])
    dstp = jnp.concatenate([dst, jnp.full((pad,), DUMMY, jnp.int32)])
    src_idx = jnp.stack([srcp, srcp + N_NODES]).reshape(NC, NS, NB, B)
    dst_idx = dstp.reshape(NS, NB, B)
    xcat = x.reshape(N_NODES, NC, DH).transpose(1, 0, 2).reshape(
        NC * N_NODES, DH)
    h2 = _sc_segment_sum(xcat, src_idx, dst_idx)
    return _tc_linear(h2, W.T, b.reshape(1, D))

# --- scband reference (transcript-rebuilt; emitter-appended) ---
"""Pipeline reference for scband-gcnlayer-17617955848765 (READ-ONLY COPY).

The authoritative reference and input builder live on the scoring server;
editing this copy changes nothing except your own understanding.
"""

import jax, jax.numpy as jnp
import numpy as np

N_NODES = 10000
N_EDGES = 160000
D_IN = 256
D_OUT = 256


def setup_inputs(seed: int = 0) -> dict:
    key = jax.random.key(seed)
    k1, k2, k3, k4 = jax.random.split(key, 4)
    x = jax.random.normal(k1, (N_NODES, D_IN), dtype=jnp.float32)
    edge_index = jax.random.randint(k2, (2, N_EDGES), 0, N_NODES, dtype=jnp.int64)
    # nn.Linear(in_feats, out_feats): weight [out, in], bias [out]
    bound = 1.0 / np.sqrt(D_IN)
    W = jax.random.uniform(k3, (D_OUT, D_IN), minval=-bound, maxval=bound, dtype=jnp.float32)
    b = jax.random.uniform(k4, (D_OUT,), minval=-bound, maxval=bound, dtype=jnp.float32)
    return {"x": x, "edge_index": edge_index, "W": W, "b": b}


def reference(x, edge_index, W, b):
    # DGL message passing: msg = src node features ('h' of edge source),
    # reduce = sum of incoming messages per destination node,
    # followed by a Linear layer.
    src = edge_index[0]
    dst = edge_index[1]
    msgs = jnp.take(x, src, axis=0)            # gather: [E, D_IN]
    h = jax.ops.segment_sum(msgs, dst, num_segments=N_NODES)  # scatter-add: [N, D_IN]
    out = h @ W.T + b                          # Linear: [N, D_OUT]
    return out

if __name__ == "__main__":
    import jax
    _d = setup_inputs()
    print(jax.jit(kernel)(*tuple(_d.values())))

</pallas_src>

<mosaic_0001>
#map = affine_map<(d0, d1) -> (0, 0)>
#map1 = affine_map<(d0, d1) -> (0, 0, 0, 0)>
#map2 = affine_map<(d0, d1) -> (0, 0, 0)>
module attributes {stable_mosaic.version = 14 : i64} {
  func.func @_sc_body(%arg0: i32, %arg1: i32, %arg2: memref<20000x128xf32, #tpu.memory_space<hbm>>, %arg3: memref<2x16x80x128xi32, #tpu.memory_space<hbm>>, %arg4: memref<16x80x128xi32, #tpu.memory_space<hbm>>, %arg5: memref<2x10112x128xf32, #tpu.memory_space<hbm>>, %arg6: memref<40x128xi32, #tpu.memory_space<vmem>>, %arg7: memref<40x128xi32, #tpu.memory_space<vmem>>, %arg8: memref<128x128xf32, #tpu.memory_space<vmem>>, %arg9: memref<128x128xf32, #tpu.memory_space<vmem>>, %arg10: memref<10112x128xf32, #tpu.memory_space<vmem_shared>>, %arg11: memref<!tpu.dma_semaphore, #tpu.memory_space<semaphore_mem>>, %arg12: memref<!tpu.dma_semaphore, #tpu.memory_space<semaphore_mem>>, %arg13: memref<!tpu.dma_semaphore, #tpu.memory_space<semaphore_mem>>, %arg14: memref<!tpu.dma_semaphore, #tpu.memory_space<semaphore_mem>>) attributes {dimension_semantics = [#tpu.dimension_semantics<core_parallel>, #tpu.dimension_semantics<subcore_parallel>], iteration_bounds = array<i64: 2, 16>, scalar_prefetch = 0 : i64, scratch_operands = 9 : i64, tpu.core_type = #tpu.core_type<sc_vector_subcore>, window_params = [{transform_indices = #map}, {transform_indices = #map1}, {transform_indices = #map2}, {transform_indices = #map2}]} {
    %scan3A = arith.constant 0 : i32
    %scan3A_0 = arith.constant 0 : i32
    %scan3A_1 = arith.constant 128 : i32
    %scan3A_2 = arith.addi %scan3A_0, %scan3A_1 : i32
    %scan3A_3 = arith.constant 1 : i32
    %scan3A_4 = scf.for %scan3A_113 = %scan3A_0 to %scan3A_2 step %scan3A_3 iter_args(%scan3A_114 = %scan3A) -> (i32)  : i32 {
      %broadcast_in_dim3A = arith.constant 0.000000e+00 : f32
      %broadcast_in_dim3A_115 = vector.broadcast %broadcast_in_dim3A : f32 to vector<16xf32>
      %swap3A = arith.index_cast %scan3A_113 : i32 to index
      %swap3A_116 = arith.constant 0 : index
      %swap3A_117 = tpu.vector_load %arg8[%swap3A, %swap3A_116] {strides = array<i32>} : memref<128x128xf32, #tpu.memory_space<vmem>>, vector<1x16xf32>,
      %swap3A_118 = vector.shape_cast %swap3A_117 : vector<1x16xf32> to vector<16xf32>
      %swap3A_119 = vector.shape_cast %broadcast_in_dim3A_115 : vector<16xf32> to vector<1x16xf32>
      tpu.vector_store %arg8[%swap3A, %swap3A_116], %swap3A_119 {strides = array<i32>} : memref<128x128xf32, #tpu.memory_space<vmem>>, vector<1x16xf32>,
      %broadcast_in_dim3A_120 = arith.constant 0.000000e+00 : f32
      %broadcast_in_dim3A_121 = vector.broadcast %broadcast_in_dim3A_120 : f32 to vector<16xf32>
      %swap3A_122 = arith.index_cast %scan3A_113 : i32 to index
      %swap3A_123 = arith.constant 16 : index
      %swap3A_124 = tpu.vector_load %arg8[%swap3A_122, %swap3A_123] {strides = array<i32>} : memref<128x128xf32, #tpu.memory_space<vmem>>, vector<1x16xf32>,
      %swap3A_125 = vector.shape_cast %swap3A_124 : vector<1x16xf32> to vector<16xf32>
      %swap3A_126 = vector.shape_cast %broadcast_in_dim3A_121 : vector<16xf32> to vector<1x16xf32>
      tpu.vector_store %arg8[%swap3A_122, %swap3A_123], %swap3A_126 {strides = array<i32>} : memref<128x128xf32, #tpu.memory_space<vmem>>, vector<1x16xf32>,
      %broadcast_in_dim3A_127 = arith.constant 0.000000e+00 : f32
      %broadcast_in_dim3A_128 = vector.broadcast %broadcast_in_dim3A_127 : f32 to vector<16xf32>
      %swap3A_129 = arith.index_cast %scan3A_113 : i32 to index
      %swap3A_130 = arith.constant 32 : index
      %swap3A_131 = tpu.vector_load %arg8[%swap3A_129, %swap3A_130] {strides = array<i32>} : memref<128x128xf32, #tpu.memory_space<vmem>>, vector<1x16xf32>,
      %swap3A_132 = vector.shape_cast %swap3A_131 : vector<1x16xf32> to vector<16xf32>
      %swap3A_133 = vector.shape_cast %broadcast_in_dim3A_128 : vector<16xf32> to vector<1x16xf32>
      tpu.vector_store %arg8[%swap3A_129, %swap3A_130], %swap3A_133 {strides = array<i32>} : memref<128x128xf32, #tpu.memory_space<vmem>>, vector<1x16xf32>,
      %broadcast_in_dim3A_134 = arith.constant 0.000000e+00 : f32
      %broadcast_in_dim3A_135 = vector.broadcast %broadcast_in_dim3A_134 : f32 to vector<16xf32>
      %swap3A_136 = arith.index_cast %scan3A_113 : i32 to index
      %swap3A_137 = arith.constant 48 : index
      %swap3A_138 = tpu.vector_load %arg8[%swap3A_136, %swap3A_137] {strides = array<i32>} : memref<128x128xf32, #tpu.memory_space<vmem>>, vector<1x16xf32>,
      %swap3A_139 = vector.shape_cast %swap3A_138 : vector<1x16xf32> to vector<16xf32>
      %swap3A_140 = vector.shape_cast %broadcast_in_dim3A_135 : vector<16xf32> to vector<1x16xf32>
      tpu.vector_store %arg8[%swap3A_136, %swap3A_137], %swap3A_140 {strides = array<i32>} : memref<128x128xf32, #tpu.memory_space<vmem>>, vector<1x16xf32>,
      %broadcast_in_dim3A_141 = arith.constant 0.000000e+00 : f32
      %broadcast_in_dim3A_142 = vector.broadcast %broadcast_in_dim3A_141 : f32 to vector<16xf32>
      %swap3A_143 = arith.index_cast %scan3A_113 : i32 to index
      %swap3A_144 = arith.constant 64 : index
      %swap3A_145 = tpu.vector_load %arg8[%swap3A_143, %swap3A_144] {strides = array<i32>} : memref<128x128xf32, #tpu.memory_space<vmem>>, vector<1x16xf32>,
      %swap3A_146 = vector.shape_cast %swap3A_145 : vector<1x16xf32> to vector<16xf32>
      %swap3A_147 = vector.shape_cast %broadcast_in_dim3A_142 : vector<16xf32> to vector<1x16xf32>
      tpu.vector_store %arg8[%swap3A_143, %swap3A_144], %swap3A_147 {strides = array<i32>} : memref<128x128xf32, #tpu.memory_space<vmem>>, vector<1x16xf32>,
      %broadcast_in_dim3A_148 = arith.constant 0.000000e+00 : f32
      %broadcast_in_dim3A_149 = vector.broadcast %broadcast_in_dim3A_148 : f32 to vector<16xf32>
      %swap3A_150 = arith.index_cast %scan3A_113 : i32 to index
      %swap3A_151 = arith.constant 80 : index
      %swap3A_152 = tpu.vector_load %arg8[%swap3A_150, %swap3A_151] {strides = array<i32>} : memref<128x128xf32, #tpu.memory_space<vmem>>, vector<1x16xf32>,
      %swap3A_153 = vector.shape_cast %swap3A_152 : vector<1x16xf32> to vector<16xf32>
      %swap3A_154 = vector.shape_cast %broadcast_in_dim3A_149 : vector<16xf32> to vector<1x16xf32>
      tpu.vector_store %arg8[%swap3A_150, %swap3A_151], %swap3A_154 {strides = array<i32>} : memref<128x128xf32, #tpu.memory_space<vmem>>, vector<1x16xf32>,
      %broadcast_in_dim3A_155 = arith.constant 0.000000e+00 : f32
      %broadcast_in_dim3A_156 = vector.broadcast %broadcast_in_dim3A_155 : f32 to vector<16xf32>
      %swap3A_157 = arith.index_cast %scan3A_113 : i32 to index
      %swap3A_158 = arith.constant 96 : index
      %swap3A_159 = tpu.vector_load %arg8[%swap3A_157, %swap3A_158] {strides = array<i32>} : memref<128x128xf32, #tpu.memory_space<vmem>>, vector<1x16xf32>,
      %swap3A_160 = vector.shape_cast %swap3A_159 : vector<1x16xf32> to vector<16xf32>
      %swap3A_161 = vector.shape_cast %broadcast_in_dim3A_156 : vector<16xf32> to vector<1x16xf32>
      tpu.vector_store %arg8[%swap3A_157, %swap3A_158], %swap3A_161 {strides = array<i32>} : memref<128x128xf32, #tpu.memory_space<vmem>>, vector<1x16xf32>,
      %broadcast_in_dim3A_162 = arith.constant 0.000000e+00 : f32
      %broadcast_in_dim3A_163 = vector.broadcast %broadcast_in_dim3A_162 : f32 to vector<16xf32>
      %swap3A_164 = arith.index_cast %scan3A_113 : i32 to index
      %swap3A_165 = arith.constant 112 : index
      %swap3A_166 = tpu.vector_load %arg8[%swap3A_164, %swap3A_165] {strides = array<i32>} : memref<128x128xf32, #tpu.memory_space<vmem>>, vector<1x16xf32>,
      %swap3A_167 = vector.shape_cast %swap3A_166 : vector<1x16xf32> to vector<16xf32>
      %swap3A_168 = vector.shape_cast %broadcast_in_dim3A_163 : vector<16xf32> to vector<1x16xf32>
      tpu.vector_store %arg8[%swap3A_164, %swap3A_165], %swap3A_168 {strides = array<i32>} : memref<128x128xf32, #tpu.memory_space<vmem>>, vector<1x16xf32>,
      %scan3A_169 = arith.constant 0 : i32
      scf.yield %scan3A_169 : i32
    }
    %scan3A_5 = arith.constant 128 : i32
    %mul3A = arith.constant 632 : i32
    %mul3A_6 = arith.muli %arg1, %mul3A : i32
    %add3A = arith.constant 0 : i32
    %add3A_7 = arith.addi %mul3A_6, %add3A : i32
    "tpu.region"() ({
      %run_scoped3A = tpu.sem_alloc : memref<!tpu.dma_semaphore, #tpu.memory_space<semaphore_mem>>
      %dma_start3A_113 = arith.constant 0 : i32
      %dma_start3A_114 = arith.constant 0 : i32
      %dma_start3A_115 = tpu.memref_slice %arg8[%dma_start3A_113, %dma_start3A_114] : memref<128x128xf32, #tpu.memory_space<vmem>> -> memref<128x128xf32, #tpu.memory_space<vmem>>
      %dma_start3A_116 = arith.constant 0 : i32
      %dma_start3A_117 = tpu.memref_slice %arg10[%add3A_7, %dma_start3A_116] : memref<10112x128xf32, #tpu.memory_space<vmem_shared>> -> memref<128x128xf32, #tpu.memory_space<vmem_shared>>
      %dma_start3A_118 = arith.constant 0 : i32
      %dma_start3A_119 = tpu.memref_slice %arg10[%add3A_7, %dma_start3A_118] : memref<10112x128xf32, #tpu.memory_space<vmem_shared>> -> memref<128x128xf32, #tpu.memory_space<vmem_shared>>
      %dma_start3A_120 = arith.constant 0 : i32
      %dma_start3A_121 = arith.constant 0 : i32
      %dma_start3A_122 = tpu.memref_slice %arg8[%dma_start3A_120, %dma_start3A_121] : memref<128x128xf32, #tpu.memory_space<vmem>> -> memref<128x128xf32, #tpu.memory_space<vmem>>
      tpu.enqueue_dma source(%dma_start3A_122 : memref<128x128xf32, #tpu.memory_space<vmem>>) target(%dma_start3A_119 : memref<128x128xf32, #tpu.memory_space<vmem_shared>>) target_semaphore(%run_scoped3A : memref<!tpu.dma_semaphore, #tpu.memory_space<semaphore_mem>>)
      %dma_wait3A_123 = arith.constant 0 : i32
      %dma_wait3A_124 = arith.constant 0 : i32
      %dma_wait3A_125 = tpu.memref_slice %arg8[%dma_wait3A_123, %dma_wait3A_124] : memref<128x128xf32, #tpu.memory_space<vmem>> -> memref<128x128xf32, #tpu.memory_space<vmem>>
      %dma_wait3A_126 = arith.constant 0 : i32
      %dma_wait3A_127 = tpu.memref_slice %arg10[%add3A_7, %dma_wait3A_126] : memref<10112x128xf32, #tpu.memory_space<vmem_shared>> -> memref<128x128xf32, #tpu.memory_space<vmem_shared>>
      %dma_wait3A_128 = arith.constant 0 : i32
      %dma_wait3A_129 = tpu.memref_slice %arg10[%add3A_7, %dma_wait3A_128] : memref<10112x128xf32, #tpu.memory_space<vmem_shared>> -> memref<128x128xf32, #tpu.memory_space<vmem_shared>>
      %dma_wait3A_130 = arith.constant 0 : i32
      %dma_wait3A_131 = arith.constant 0 : i32
      %dma_wait3A_132 = tpu.memref_slice %arg8[%dma_wait3A_130, %dma_wait3A_131] : memref<128x128xf32, #tpu.memory_space<vmem>> -> memref<128x128xf32, #tpu.memory_space<vmem>>
      tpu.wait_dma2 semaphore(%run_scoped3A : memref<!tpu.dma_semaphore, #tpu.memory_space<semaphore_mem>>) src(%dma_wait3A_132 : memref<128x128xf32, #tpu.memory_space<vmem>>) dst(%dma_wait3A_129 : memref<128x128xf32, #tpu.memory_space<vmem_shared>>)
      tpu.yield
    }) : () -> ()
    %add3A_8 = arith.constant 128 : i32
    %add3A_9 = arith.addi %mul3A_6, %add3A_8 : i32
    "tpu.region"() ({
      %run_scoped3A = tpu.sem_alloc : memref<!tpu.dma_semaphore, #tpu.memory_space<semaphore_mem>>
      %dma_start3A_113 = arith.constant 0 : i32
      %dma_start3A_114 = arith.constant 0 : i32
      %dma_start3A_115 = tpu.memref_slice %arg8[%dma_start3A_113, %dma_start3A_114] : memref<128x128xf32, #tpu.memory_space<vmem>> -> memref<128x128xf32, #tpu.memory_space<vmem>>
      %dma_start3A_116 = arith.constant 0 : i32
      %dma_start3A_117 = tpu.memref_slice %arg10[%add3A_9, %dma_start3A_116] : memref<10112x128xf32, #tpu.memory_space<vmem_shared>> -> memref<128x128xf32, #tpu.memory_space<vmem_shared>>
      %dma_start3A_118 = arith.constant 0 : i32
      %dma_start3A_119 = tpu.memref_slice %arg10[%add3A_9, %dma_start3A_118] : memref<10112x128xf32, #tpu.memory_space<vmem_shared>> -> memref<128x128xf32, #tpu.memory_space<vmem_shared>>
      %dma_start3A_120 = arith.constant 0 : i32
      %dma_start3A_121 = arith.constant 0 : i32
      %dma_start3A_122 = tpu.memref_slice %arg8[%dma_start3A_120, %dma_start3A_121] : memref<128x128xf32, #tpu.memory_space<vmem>> -> memref<128x128xf32, #tpu.memory_space<vmem>>
      tpu.enqueue_dma source(%dma_start3A_122 : memref<128x128xf32, #tpu.memory_space<vmem>>) target(%dma_start3A_119 : memref<128x128xf32, #tpu.memory_space<vmem_shared>>) target_semaphore(%run_scoped3A : memref<!tpu.dma_semaphore, #tpu.memory_space<semaphore_mem>>)
      %dma_wait3A_123 = arith.constant 0 : i32
      %dma_wait3A_124 = arith.constant 0 : i32
      %dma_wait3A_125 = tpu.memref_slice %arg8[%dma_wait3A_123, %dma_wait3A_124] : memref<128x128xf32, #tpu.memory_space<vmem>> -> memref<128x128xf32, #tpu.memory_space<vmem>>
      %dma_wait3A_126 = arith.constant 0 : i32
      %dma_wait3A_127 = tpu.memref_slice %arg10[%add3A_9, %dma_wait3A_126] : memref<10112x128xf32, #tpu.memory_space<vmem_shared>> -> memref<128x128xf32, #tpu.memory_space<vmem_shared>>
      %dma_wait3A_128 = arith.constant 0 : i32
      %dma_wait3A_129 = tpu.memref_slice %arg10[%add3A_9, %dma_wait3A_128] : memref<10112x128xf32, #tpu.memory_space<vmem_shared>> -> memref<128x128xf32, #tpu.memory_space<vmem_shared>>
      %dma_wait3A_130 = arith.constant 0 : i32
      %dma_wait3A_131 = arith.constant 0 : i32
      %dma_wait3A_132 = tpu.memref_slice %arg8[%dma_wait3A_130, %dma_wait3A_131] : memref<128x128xf32, #tpu.memory_space<vmem>> -> memref<128x128xf32, #tpu.memory_space<vmem>>
      tpu.wait_dma2 semaphore(%run_scoped3A : memref<!tpu.dma_semaphore, #tpu.memory_space<semaphore_mem>>) src(%dma_wait3A_132 : memref<128x128xf32, #tpu.memory_space<vmem>>) dst(%dma_wait3A_129 : memref<128x128xf32, #tpu.memory_space<vmem_shared>>)
      tpu.yield
    }) : () -> ()
    %add3A_10 = arith.constant 256 : i32
    %add3A_11 = arith.addi %mul3A_6, %add3A_10 : i32
    "tpu.region"() ({
      %run_scoped3A = tpu.sem_alloc : memref<!tpu.dma_semaphore, #tpu.memory_space<semaphore_mem>>
      %dma_start3A_113 = arith.constant 0 : i32
      %dma_start3A_114 = arith.constant 0 : i32
      %dma_start3A_115 = tpu.memref_slice %arg8[%dma_start3A_113, %dma_start3A_114] : memref<128x128xf32, #tpu.memory_space<vmem>> -> memref<128x128xf32, #tpu.memory_space<vmem>>
      %dma_start3A_116 = arith.constant 0 : i32
      %dma_start3A_117 = tpu.memref_slice %arg10[%add3A_11, %dma_start3A_116] : memref<10112x128xf32, #tpu.memory_space<vmem_shared>> -> memref<128x128xf32, #tpu.memory_space<vmem_shared>>
      %dma_start3A_118 = arith.constant 0 : i32
      %dma_start3A_119 = tpu.memref_slice %arg10[%add3A_11, %dma_start3A_118] : memref<10112x128xf32, #tpu.memory_space<vmem_shared>> -> memref<128x128xf32, #tpu.memory_space<vmem_shared>>
      %dma_start3A_120 = arith.constant 0 : i32
      %dma_start3A_121 = arith.constant 0 : i32
      %dma_start3A_122 = tpu.memref_slice %arg8[%dma_start3A_120, %dma_start3A_121] : memref<128x128xf32, #tpu.memory_space<vmem>> -> memref<128x128xf32, #tpu.memory_space<vmem>>
      tpu.enqueue_dma source(%dma_start3A_122 : memref<128x128xf32, #tpu.memory_space<vmem>>) target(%dma_start3A_119 : memref<128x128xf32, #tpu.memory_space<vmem_shared>>) target_semaphore(%run_scoped3A : memref<!tpu.dma_semaphore, #tpu.memory_space<semaphore_mem>>)
      %dma_wait3A_123 = arith.constant 0 : i32
      %dma_wait3A_124 = arith.constant 0 : i32
      %dma_wait3A_125 = tpu.memref_slice %arg8[%dma_wait3A_123, %dma_wait3A_124] : memref<128x128xf32, #tpu.memory_space<vmem>> -> memref<128x128xf32, #tpu.memory_space<vmem>>
      %dma_wait3A_126 = arith.constant 0 : i32
      %dma_wait3A_127 = tpu.memref_slice %arg10[%add3A_11, %dma_wait3A_126] : memref<10112x128xf32, #tpu.memory_space<vmem_shared>> -> memref<128x128xf32, #tpu.memory_space<vmem_shared>>
      %dma_wait3A_128 = arith.constant 0 : i32
      %dma_wait3A_129 = tpu.memref_slice %arg10[%add3A_11, %dma_wait3A_128] : memref<10112x128xf32, #tpu.memory_space<vmem_shared>> -> memref<128x128xf32, #tpu.memory_space<vmem_shared>>
      %dma_wait3A_130 = arith.constant 0 : i32
      %dma_wait3A_131 = arith.constant 0 : i32
      %dma_wait3A_132 = tpu.memref_slice %arg8[%dma_wait3A_130, %dma_wait3A_131] : memref<128x128xf32, #tpu.memory_space<vmem>> -> memref<128x128xf32, #tpu.memory_space<vmem>>
      tpu.wait_dma2 semaphore(%run_scoped3A : memref<!tpu.dma_semaphore, #tpu.memory_space<semaphore_mem>>) src(%dma_wait3A_132 : memref<128x128xf32, #tpu.memory_space<vmem>>) dst(%dma_wait3A_129 : memref<128x128xf32, #tpu.memory_space<vmem_shared>>)
      tpu.yield
    }) : () -> ()
    %add3A_12 = arith.constant 384 : i32
    %add3A_13 = arith.addi %mul3A_6, %add3A_12 : i32
    "tpu.region"() ({
      %run_scoped3A = tpu.sem_alloc : memref<!tpu.dma_semaphore, #tpu.memory_space<semaphore_mem>>
      %dma_start3A_113 = arith.constant 0 : i32
      %dma_start3A_114 = arith.constant 0 : i32
      %dma_start3A_115 = tpu.memref_slice %arg8[%dma_start3A_113, %dma_start3A_114] : memref<128x128xf32, #tpu.memory_space<vmem>> -> memref<128x128xf32, #tpu.memory_space<vmem>>
      %dma_start3A_116 = arith.constant 0 : i32
      %dma_start3A_117 = tpu.memref_slice %arg10[%add3A_13, %dma_start3A_116] : memref<10112x128xf32, #tpu.memory_space<vmem_shared>> -> memref<128x128xf32, #tpu.memory_space<vmem_shared>>
      %dma_start3A_118 = arith.constant 0 : i32
      %dma_start3A_119 = tpu.memref_slice %arg10[%add3A_13, %dma_start3A_118] : memref<10112x128xf32, #tpu.memory_space<vmem_shared>> -> memref<128x128xf32, #tpu.memory_space<vmem_shared>>
      %dma_start3A_120 = arith.constant 0 : i32
      %dma_start3A_121 = arith.constant 0 : i32
      %dma_start3A_122 = tpu.memref_slice %arg8[%dma_start3A_120, %dma_start3A_121] : memref<128x128xf32, #tpu.memory_space<vmem>> -> memref<128x128xf32, #tpu.memory_space<vmem>>
      tpu.enqueue_dma source(%dma_start3A_122 : memref<128x128xf32, #tpu.memory_space<vmem>>) target(%dma_start3A_119 : memref<128x128xf32, #tpu.memory_space<vmem_shared>>) target_semaphore(%run_scoped3A : memref<!tpu.dma_semaphore, #tpu.memory_space<semaphore_mem>>)
      %dma_wait3A_123 = arith.constant 0 : i32
      %dma_wait3A_124 = arith.constant 0 : i32
      %dma_wait3A_125 = tpu.memref_slice %arg8[%dma_wait3A_123, %dma_wait3A_124] : memref<128x128xf32, #tpu.memory_space<vmem>> -> memref<128x128xf32, #tpu.memory_space<vmem>>
      %dma_wait3A_126 = arith.constant 0 : i32
      %dma_wait3A_127 = tpu.memref_slice %arg10[%add3A_13, %dma_wait3A_126] : memref<10112x128xf32, #tpu.memory_space<vmem_shared>> -> memref<128x128xf32, #tpu.memory_space<vmem_shared>>
      %dma_wait3A_128 = arith.constant 0 : i32
      %dma_wait3A_129 = tpu.memref_slice %arg10[%add3A_13, %dma_wait3A_128] : memref<10112x128xf32, #tpu.memory_space<vmem_shared>> -> memref<128x128xf32, #tpu.memory_space<vmem_shared>>
      %dma_wait3A_130 = arith.constant 0 : i32
      %dma_wait3A_131 = arith.constant 0 : i32
      %dma_wait3A_132 = tpu.memref_slice %arg8[%dma_wait3A_130, %dma_wait3A_131] : memref<128x128xf32, #tpu.memory_space<vmem>> -> memref<128x128xf32, #tpu.memory_space<vmem>>
      tpu.wait_dma2 semaphore(%run_scoped3A : memref<!tpu.dma_semaphore, #tpu.memory_space<semaphore_mem>>) src(%dma_wait3A_132 : memref<128x128xf32, #tpu.memory_space<vmem>>) dst(%dma_wait3A_129 : memref<128x128xf32, #tpu.memory_space<vmem_shared>>)
      tpu.yield
    }) : () -> ()
    %add3A_14 = arith.constant 512 : i32
    %add3A_15 = arith.addi %mul3A_6, %add3A_14 : i32
    "tpu.region"() ({
      %run_scoped3A = tpu.sem_alloc : memref<!tpu.dma_semaphore, #tpu.memory_space<semaphore_mem>>
      %dma_start3A_113 = arith.constant 0 : i32
      %dma_start3A_114 = arith.constant 0 : i32
      %dma_start3A_115 = tpu.memref_slice %arg8[%dma_start3A_113, %dma_start3A_114] : memref<128x128xf32, #tpu.memory_space<vmem>> -> memref<120x128xf32, #tpu.memory_space<vmem>>
      %dma_start3A_116 = arith.constant 0 : i32
      %dma_start3A_117 = tpu.memref_slice %arg10[%add3A_15, %dma_start3A_116] : memref<10112x128xf32, #tpu.memory_space<vmem_shared>> -> memref<120x128xf32, #tpu.memory_space<vmem_shared>>
      %dma_start3A_118 = arith.constant 0 : i32
      %dma_start3A_119 = tpu.memref_slice %arg10[%add3A_15, %dma_start3A_118] : memref<10112x128xf32, #tpu.memory_space<vmem_shared>> -> memref<120x128xf32, #tpu.memory_space<vmem_shared>>
      %dma_start3A_120 = arith.constant 0 : i32
      %dma_start3A_121 = arith.constant 0 : i32
      %dma_start3A_122 = tpu.memref_slice %arg8[%dma_start3A_120, %dma_start3A_121] : memref<128x128xf32, #tpu.memory_space<vmem>> -> memref<120x128xf32, #tpu.memory_space<vmem>>
      tpu.enqueue_dma source(%dma_start3A_122 : memref<120x128xf32, #tpu.memory_space<vmem>>) target(%dma_start3A_119 : memref<120x128xf32, #tpu.memory_space<vmem_shared>>) target_semaphore(%run_scoped3A : memref<!tpu.dma_semaphore, #tpu.memory_space<semaphore_mem>>)
      %dma_wait3A_123 = arith.constant 0 : i32
      %dma_wait3A_124 = arith.constant 0 : i32
      %dma_wait3A_125 = tpu.memref_slice %arg8[%dma_wait3A_123, %dma_wait3A_124] : memref<128x128xf32, #tpu.memory_space<vmem>> -> memref<120x128xf32, #tpu.memory_space<vmem>>
      %dma_wait3A_126 = arith.constant 0 : i32
      %dma_wait3A_127 = tpu.memref_slice %arg10[%add3A_15, %dma_wait3A_126] : memref<10112x128xf32, #tpu.memory_space<vmem_shared>> -> memref<120x128xf32, #tpu.memory_space<vmem_shared>>
      %dma_wait3A_128 = arith.constant 0 : i32
      %dma_wait3A_129 = tpu.memref_slice %arg10[%add3A_15, %dma_wait3A_128] : memref<10112x128xf32, #tpu.memory_space<vmem_shared>> -> memref<120x128xf32, #tpu.memory_space<vmem_shared>>
      %dma_wait3A_130 = arith.constant 0 : i32
      %dma_wait3A_131 = arith.constant 0 : i32
      %dma_wait3A_132 = tpu.memref_slice %arg8[%dma_wait3A_130, %dma_wait3A_131] : memref<128x128xf32, #tpu.memory_space<vmem>> -> memref<120x128xf32, #tpu.memory_space<vmem>>
      tpu.wait_dma2 semaphore(%run_scoped3A : memref<!tpu.dma_semaphore, #tpu.memory_space<semaphore_mem>>) src(%dma_wait3A_132 : memref<120x128xf32, #tpu.memory_space<vmem>>) dst(%dma_wait3A_129 : memref<120x128xf32, #tpu.memory_space<vmem_shared>>)
      tpu.yield
    }) : () -> ()
    %barrier3A = arith.constant 0 : index
    tpu.barrier barrier_id(%barrier3A)
    "tpu.region"() ({
      %run_scoped3A = tpu.sem_alloc : memref<!tpu.dma_semaphore, #tpu.memory_space<semaphore_mem>>
      %dma_start3A_113 = arith.constant 0 : i32
      %dma_start3A_114 = arith.constant 0 : i32
      %dma_start3A_115 = tpu.memref_slice %arg3[%arg0, %arg1, %dma_start3A_113, %dma_start3A_114] : memref<2x16x80x128xi32, #tpu.memory_space<hbm>> -> memref<1x1x40x128xi32, #tpu.memory_space<hbm>>
      %dma_start3A_116 = tpu.memref_squeeze %dma_start3A_115 : memref<1x1x40x128xi32, #tpu.memory_space<hbm>> -> memref<40x128xi32, #tpu.memory_space<hbm>>
      %dma_start3A_117 = arith.constant 0 : i32
      %dma_start3A_118 = arith.constant 0 : i32
      %dma_start3A_119 = tpu.memref_slice %arg3[%arg0, %arg1, %dma_start3A_117, %dma_start3A_118] : memref<2x16x80x128xi32, #tpu.memory_space<hbm>> -> memref<1x1x40x128xi32, #tpu.memory_space<hbm>>
      %dma_start3A_120 = tpu.memref_squeeze %dma_start3A_119 : memref<1x1x40x128xi32, #tpu.memory_space<hbm>> -> memref<40x128xi32, #tpu.memory_space<hbm>>
      tpu.enqueue_dma source(%dma_start3A_120 : memref<40x128xi32, #tpu.memory_space<hbm>>) target(%arg6 : memref<40x128xi32, #tpu.memory_space<vmem>>) target_semaphore(%run_scoped3A : memref<!tpu.dma_semaphore, #tpu.memory_space<semaphore_mem>>)
      %dma_wait3A_121 = arith.constant 0 : i32
      %dma_wait3A_122 = arith.constant 0 : i32
      %dma_wait3A_123 = tpu.memref_slice %arg3[%arg0, %arg1, %dma_wait3A_121, %dma_wait3A_122] : memref<2x16x80x128xi32, #tpu.memory_space<hbm>> -> memref<1x1x40x128xi32, #tpu.memory_space<hbm>>
      %dma_wait3A_124 = tpu.memref_squeeze %dma_wait3A_123 : memref<1x1x40x128xi32, #tpu.memory_space<hbm>> -> memref<40x128xi32, #tpu.memory_space<hbm>>
      %dma_wait3A_125 = arith.constant 0 : i32
      %dma_wait3A_126 = arith.constant 0 : i32
      %dma_wait3A_127 = tpu.memref_slice %arg3[%arg0, %arg1, %dma_wait3A_125, %dma_wait3A_126] : memref<2x16x80x128xi32, #tpu.memory_space<hbm>> -> memref<1x1x40x128xi32, #tpu.memory_space<hbm>>
      %dma_wait3A_128 = tpu.memref_squeeze %dma_wait3A_127 : memref<1x1x40x128xi32, #tpu.memory_space<hbm>> -> memref<40x128xi32, #tpu.memory_space<hbm>>
      tpu.wait_dma2 semaphore(%run_scoped3A : memref<!tpu.dma_semaphore, #tpu.memory_space<semaphore_mem>>) src(%dma_wait3A_128 : memref<40x128xi32, #tpu.memory_space<hbm>>) dst(%arg6 : memref<40x128xi32, #tpu.memory_space<vmem>>)
      tpu.yield
    }) : () -> ()
    "tpu.region"() ({
      %run_scoped3A = tpu.sem_alloc : memref<!tpu.dma_semaphore, #tpu.memory_space<semaphore_mem>>
      %dma_start3A_113 = arith.constant 0 : i32
      %dma_start3A_114 = arith.constant 0 : i32
      %dma_start3A_115 = tpu.memref_slice %arg4[%arg1, %dma_start3A_113, %dma_start3A_114] : memref<16x80x128xi32, #tpu.memory_space<hbm>> -> memref<1x40x128xi32, #tpu.memory_space<hbm>>
      %dma_start3A_116 = tpu.memref_squeeze %dma_start3A_115 : memref<1x40x128xi32, #tpu.memory_space<hbm>> -> memref<40x128xi32, #tpu.memory_space<hbm>>
      %dma_start3A_117 = arith.constant 0 : i32
      %dma_start3A_118 = arith.constant 0 : i32
      %dma_start3A_119 = tpu.memref_slice %arg4[%arg1, %dma_start3A_117, %dma_start3A_118] : memref<16x80x128xi32, #tpu.memory_space<hbm>> -> memref<1x40x128xi32, #tpu.memory_space<hbm>>
      %dma_start3A_120 = tpu.memref_squeeze %dma_start3A_119 : memref<1x40x128xi32, #tpu.memory_space<hbm>> -> memref<40x128xi32, #tpu.memory_space<hbm>>
      tpu.enqueue_dma source(%dma_start3A_120 : memref<40x128xi32, #tpu.memory_space<hbm>>) target(%arg7 : memref<40x128xi32, #tpu.memory_space<vmem>>) target_semaphore(%run_scoped3A : memref<!tpu.dma_semaphore, #tpu.memory_space<semaphore_mem>>)
      %dma_wait3A_121 = arith.constant 0 : i32
      %dma_wait3A_122 = arith.constant 0 : i32
      %dma_wait3A_123 = tpu.memref_slice %arg4[%arg1, %dma_wait3A_121, %dma_wait3A_122] : memref<16x80x128xi32, #tpu.memory_space<hbm>> -> memref<1x40x128xi32, #tpu.memory_space<hbm>>
      %dma_wait3A_124 = tpu.memref_squeeze %dma_wait3A_123 : memref<1x40x128xi32, #tpu.memory_space<hbm>> -> memref<40x128xi32, #tpu.memory_space<hbm>>
      %dma_wait3A_125 = arith.constant 0 : i32
      %dma_wait3A_126 = arith.constant 0 : i32
      %dma_wait3A_127 = tpu.memref_slice %arg4[%arg1, %dma_wait3A_125, %dma_wait3A_126] : memref<16x80x128xi32, #tpu.memory_space<hbm>> -> memref<1x40x128xi32, #tpu.memory_space<hbm>>
      %dma_wait3A_128 = tpu.memref_squeeze %dma_wait3A_127 : memref<1x40x128xi32, #tpu.memory_space<hbm>> -> memref<40x128xi32, #tpu.memory_space<hbm>>
      tpu.wait_dma2 semaphore(%run_scoped3A : memref<!tpu.dma_semaphore, #tpu.memory_space<semaphore_mem>>) src(%dma_wait3A_128 : memref<40x128xi32, #tpu.memory_space<hbm>>) dst(%arg7 : memref<40x128xi32, #tpu.memory_space<vmem>>)
      tpu.yield
    }) : () -> ()
    %dma_start3A = arith.constant 0 : i32
    %dma_start3A_16 = arith.constant 0 : i32
    %dma_start3A_17 = tpu.memref_slice %arg6[%dma_start3A, %dma_start3A_16] : memref<40x128xi32, #tpu.memory_space<vmem>> -> memref<1x128xi32, #tpu.memory_space<vmem>>
    %dma_start3A_18 = tpu.memref_squeeze %dma_start3A_17 : memref<1x128xi32, #tpu.memory_space<vmem>> -> memref<128xi32, #tpu.memory_space<vmem>>
    %dma_start3A_19 = arith.constant 0 : i32
    %dma_start3A_20 = arith.constant 0 : i32
    %dma_start3A_21 = tpu.memref_slice %arg2[%dma_start3A_19, %dma_start3A_20] : memref<20000x128xf32, #tpu.memory_space<hbm>> -> memref<20000x128xf32, #tpu.memory_space<hbm>>
    tpu.enqueue_indirect_dma source(%dma_start3A_21 : memref<20000x128xf32, #tpu.memory_space<hbm>>) target(%arg8 : memref<128x128xf32, #tpu.memory_space<vmem>>) offsets(%dma_start3A_18 : memref<128xi32, #tpu.memory_space<vmem>>) semaphore(%arg11 : memref<!tpu.dma_semaphore, #tpu.memory_space<semaphore_mem>>)
    %dma_start3A_22 = arith.constant 1 : i32
    %dma_start3A_23 = arith.constant 0 : i32
    %dma_start3A_24 = tpu.memref_slice %arg6[%dma_start3A_22, %dma_start3A_23] : memref<40x128xi32, #tpu.memory_space<vmem>> -> memref<1x128xi32, #tpu.memory_space<vmem>>
    %dma_start3A_25 = tpu.memref_squeeze %dma_start3A_24 : memref<1x128xi32, #tpu.memory_space<vmem>> -> memref<128xi32, #tpu.memory_space<vmem>>
    %dma_start3A_26 = arith.constant 0 : i32
    %dma_start3A_27 = arith.constant 0 : i32
    %dma_start3A_28 = tpu.memref_slice %arg2[%dma_start3A_26, %dma_start3A_27] : memref<20000x128xf32, #tpu.memory_space<hbm>> -> memref<20000x128xf32, #tpu.memory_space<hbm>>
    tpu.enqueue_indirect_dma source(%dma_start3A_28 : memref<20000x128xf32, #tpu.memory_space<hbm>>) target(%arg9 : memref<128x128xf32, #tpu.memory_space<vmem>>) offsets(%dma_start3A_25 : memref<128xi32, #tpu.memory_space<vmem>>) semaphore(%arg12 : memref<!tpu.dma_semaphore, #tpu.memory_space<semaphore_mem>>)
    %scan3A_29 = arith.constant 0 : i32
    %scan3A_30 = arith.constant 0 : i32
    %scan3A_31 = arith.constant 20 : i32
    %scan3A_32 = arith.addi %scan3A_30, %scan3A_31 : i32
    %scan3A_33 = arith.constant 1 : i32
    %scan3A_34 = scf.for %scan3A_113 = %scan3A_30 to %scan3A_32 step %scan3A_33 iter_args(%scan3A_114 = %scan3A_29) -> (i32)  : i32 {
      %mul3A_115 = arith.constant 2 : i32
      %mul3A_116 = arith.muli %mul3A_115, %scan3A_113 : i32
      %add3A_117 = arith.constant 1 : i32
      %add3A_118 = arith.addi %mul3A_116, %add3A_117 : i32
      %ge3A = arith.constant 1 : i32
      %ge3A_119 = arith.cmpi sge, %scan3A_113, %ge3A : i32
      %convert_element_type3A = arith.extui %ge3A_119 : i1 to i32
      %cond3A = arith.constant 0 : i32
      %cond3A_120 = arith.cmpi ne, %convert_element_type3A, %cond3A : i32
      scf.if %cond3A_120 {
        %sub3A = arith.constant 2 : i32
        %sub3A_134 = arith.subi %mul3A_116, %sub3A : i32
        %dma_wait3A_135 = arith.constant 0 : i32
        %dma_wait3A_136 = tpu.memref_slice %arg7[%sub3A_134, %dma_wait3A_135] : memref<40x128xi32, #tpu.memory_space<vmem>> -> memref<1x128xi32, #tpu.memory_space<vmem>>
        %dma_wait3A_137 = tpu.memref_squeeze %dma_wait3A_136 : memref<1x128xi32, #tpu.memory_space<vmem>> -> memref<128xi32, #tpu.memory_space<vmem>>
        %dma_wait3A_138 = arith.constant 0 : i32
        %dma_wait3A_139 = arith.constant 0 : i32
        %dma_wait3A_140 = tpu.memref_slice %arg10[%dma_wait3A_138, %dma_wait3A_139] : memref<10112x128xf32, #tpu.memory_space<vmem_shared>> -> memref<10112x128xf32, #tpu.memory_space<vmem_shared>>
        tpu.wait_indirect_dma semaphore(%arg13 : memref<!tpu.dma_semaphore, #tpu.memory_space<semaphore_mem>>) src(%arg8 : memref<128x128xf32, #tpu.memory_space<vmem>>) dst(%dma_wait3A_140 : memref<10112x128xf32, #tpu.memory_space<vmem_shared>>)
        %dma_start3A_141 = arith.constant 0 : i32
        %dma_start3A_142 = tpu.memref_slice %arg6[%mul3A_116, %dma_start3A_141] : memref<40x128xi32, #tpu.memory_space<vmem>> -> memref<1x128xi32, #tpu.memory_space<vmem>>
        %dma_start3A_143 = tpu.memref_squeeze %dma_start3A_142 : memref<1x128xi32, #tpu.memory_space<vmem>> -> memref<128xi32, #tpu.memory_space<vmem>>
        %dma_start3A_144 = arith.constant 0 : i32
        %dma_start3A_145 = arith.constant 0 : i32
        %dma_start3A_146 = tpu.memref_slice %arg2[%dma_start3A_144, %dma_start3A_145] : memref<20000x128xf32, #tpu.memory_space<hbm>> -> memref<20000x128xf32, #tpu.memory_space<hbm>>
        tpu.enqueue_indirect_dma source(%dma_start3A_146 : memref<20000x128xf32, #tpu.memory_space<hbm>>) target(%arg8 : memref<128x128xf32, #tpu.memory_space<vmem>>) offsets(%dma_start3A_143 : memref<128xi32, #tpu.memory_space<vmem>>) semaphore(%arg11 : memref<!tpu.dma_semaphore, #tpu.memory_space<semaphore_mem>>)
        %sub3A_147 = arith.constant 1 : i32
        %sub3A_148 = arith.subi %mul3A_116, %sub3A_147 : i32
        %dma_wait3A_149 = arith.constant 0 : i32
        %dma_wait3A_150 = tpu.memref_slice %arg6[%sub3A_148, %dma_wait3A_149] : memref<40x128xi32, #tpu.memory_space<vmem>> -> memref<1x128xi32, #tpu.memory_space<vmem>>
        %dma_wait3A_151 = tpu.memref_squeeze %dma_wait3A_150 : memref<1x128xi32, #tpu.memory_space<vmem>> -> memref<128xi32, #tpu.memory_space<vmem>>
        %dma_wait3A_152 = arith.constant 0 : i32
        %dma_wait3A_153 = arith.constant 0 : i32
        %dma_wait3A_154 = tpu.memref_slice %arg2[%dma_wait3A_152, %dma_wait3A_153] : memref<20000x128xf32, #tpu.memory_space<hbm>> -> memref<20000x128xf32, #tpu.memory_space<hbm>>
        tpu.wait_indirect_dma semaphore(%arg12 : memref<!tpu.dma_semaphore, #tpu.memory_space<semaphore_mem>>) src(%dma_wait3A_154 : memref<20000x128xf32, #tpu.memory_space<hbm>>) dst(%arg9 : memref<128x128xf32, #tpu.memory_space<vmem>>)
        %sub3A_155 = arith.constant 1 : i32
        %sub3A_156 = arith.subi %mul3A_116, %sub3A_155 : i32
        %dma_start3A_157 = arith.constant 0 : i32
        %dma_start3A_158 = tpu.memref_slice %arg7[%sub3A_156, %dma_start3A_157] : memref<40x128xi32, #tpu.memory_space<vmem>> -> memref<1x128xi32, #tpu.memory_space<vmem>>
        %dma_start3A_159 = tpu.memref_squeeze %dma_start3A_158 : memref<1x128xi32, #tpu.memory_space<vmem>> -> memref<128xi32, #tpu.memory_space<vmem>>
        %dma_start3A_160 = arith.constant 0 : i32
        %dma_start3A_161 = arith.constant 0 : i32
        %dma_start3A_162 = tpu.memref_slice %arg10[%dma_start3A_160, %dma_start3A_161] : memref<10112x128xf32, #tpu.memory_space<vmem_shared>> -> memref<10112x128xf32, #tpu.memory_space<vmem_shared>>
        tpu.enqueue_indirect_dma source(%arg9 : memref<128x128xf32, #tpu.memory_space<vmem>>) target(%dma_start3A_162 : memref<10112x128xf32, #tpu.memory_space<vmem_shared>>) offsets(%dma_start3A_159 : memref<128xi32, #tpu.memory_space<vmem>>) semaphore(%arg14 : memref<!tpu.dma_semaphore, #tpu.memory_space<semaphore_mem>>) {add = true}
        %sub3A_163 = arith.constant 2 : i32
        %sub3A_164 = arith.subi %add3A_118, %sub3A_163 : i32
        %dma_wait3A_165 = arith.constant 0 : i32
        %dma_wait3A_166 = tpu.memref_slice %arg7[%sub3A_164, %dma_wait3A_165] : memref<40x128xi32, #tpu.memory_space<vmem>> -> memref<1x128xi32, #tpu.memory_space<vmem>>
        %dma_wait3A_167 = tpu.memref_squeeze %dma_wait3A_166 : memref<1x128xi32, #tpu.memory_space<vmem>> -> memref<128xi32, #tpu.memory_space<vmem>>
        %dma_wait3A_168 = arith.constant 0 : i32
        %dma_wait3A_169 = arith.constant 0 : i32
        %dma_wait3A_170 = tpu.memref_slice %arg10[%dma_wait3A_168, %dma_wait3A_169] : memref<10112x128xf32, #tpu.memory_space<vmem_shared>> -> memref<10112x128xf32, #tpu.memory_space<vmem_shared>>
        tpu.wait_indirect_dma semaphore(%arg14 : memref<!tpu.dma_semaphore, #tpu.memory_space<semaphore_mem>>) src(%arg9 : memref<128x128xf32, #tpu.memory_space<vmem>>) dst(%dma_wait3A_170 : memref<10112x128xf32, #tpu.memory_space<vmem_shared>>)
        %dma_start3A_171 = arith.constant 0 : i32
        %dma_start3A_172 = tpu.memref_slice %arg6[%add3A_118, %dma_start3A_171] : memref<40x128xi32, #tpu.memory_space<vmem>> -> memref<1x128xi32, #tpu.memory_space<vmem>>
        %dma_start3A_173 = tpu.memref_squeeze %dma_start3A_172 : memref<1x128xi32, #tpu.memory_space<vmem>> -> memref<128xi32, #tpu.memory_space<vmem>>
        %dma_start3A_174 = arith.constant 0 : i32
        %dma_start3A_175 = arith.constant 0 : i32
        %dma_start3A_176 = tpu.memref_slice %arg2[%dma_start3A_174, %dma_start3A_175] : memref<20000x128xf32, #tpu.memory_space<hbm>> -> memref<20000x128xf32, #tpu.memory_space<hbm>>
        tpu.enqueue_indirect_dma source(%dma_start3A_176 : memref<20000x128xf32, #tpu.memory_space<hbm>>) target(%arg9 : memref<128x128xf32, #tpu.memory_space<vmem>>) offsets(%dma_start3A_173 : memref<128xi32, #tpu.memory_space<vmem>>) semaphore(%arg12 : memref<!tpu.dma_semaphore, #tpu.memory_space<semaphore_mem>>)
      } else {
      }
      %dma_wait3A_121 = arith.constant 0 : i32
      %dma_wait3A_122 = tpu.memref_slice %arg6[%mul3A_116, %dma_wait3A_121] : memref<40x128xi32, #tpu.memory_space<vmem>> -> memref<1x128xi32, #tpu.memory_space<vmem>>
      %dma_wait3A_123 = tpu.memref_squeeze %dma_wait3A_122 : memref<1x128xi32, #tpu.memory_space<vmem>> -> memref<128xi32, #tpu.memory_space<vmem>>
      %dma_wait3A_124 = arith.constant 0 : i32
      %dma_wait3A_125 = arith.constant 0 : i32
      %dma_wait3A_126 = tpu.memref_slice %arg2[%dma_wait3A_124, %dma_wait3A_125] : memref<20000x128xf32, #tpu.memory_space<hbm>> -> memref<20000x128xf32, #tpu.memory_space<hbm>>
      tpu.wait_indirect_dma semaphore(%arg11 : memref<!tpu.dma_semaphore, #tpu.memory_space<semaphore_mem>>) src(%dma_wait3A_126 : memref<20000x128xf32, #tpu.memory_space<hbm>>) dst(%arg8 : memref<128x128xf32, #tpu.memory_space<vmem>>)
      %dma_start3A_127 = arith.constant 0 : i32
      %dma_start3A_128 = tpu.memref_slice %arg7[%mul3A_116, %dma_start3A_127] : memref<40x128xi32, #tpu.memory_space<vmem>> -> memref<1x128xi32, #tpu.memory_space<vmem>>
      %dma_start3A_129 = tpu.memref_squeeze %dma_start3A_128 : memref<1x128xi32, #tpu.memory_space<vmem>> -> memref<128xi32, #tpu.memory_space<vmem>>
      %dma_start3A_130 = arith.constant 0 : i32
      %dma_start3A_131 = arith.constant 0 : i32
      %dma_start3A_132 = tpu.memref_slice %arg10[%dma_start3A_130, %dma_start3A_131] : memref<10112x128xf32, #tpu.memory_space<vmem_shared>> -> memref<10112x128xf32, #tpu.memory_space<vmem_shared>>
      tpu.enqueue_indirect_dma source(%arg8 : memref<128x128xf32, #tpu.memory_space<vmem>>) target(%dma_start3A_132 : memref<10112x128xf32, #tpu.memory_space<vmem_shared>>) offsets(%dma_start3A_129 : memref<128xi32, #tpu.memory_space<vmem>>) semaphore(%arg13 : memref<!tpu.dma_semaphore, #tpu.memory_space<semaphore_mem>>) {add = true}
      %scan3A_133 = arith.constant 0 : i32
      scf.yield %scan3A_133 : i32
    }
    %scan3A_35 = arith.constant 20 : i32
    %dma_wait3A = arith.constant 39 : i32
    %dma_wait3A_36 = arith.constant 0 : i32
    %dma_wait3A_37 = tpu.memref_slice %arg6[%dma_wait3A, %dma_wait3A_36] : memref<40x128xi32, #tpu.memory_space<vmem>> -> memref<1x128xi32, #tpu.memory_space<vmem>>
    %dma_wait3A_38 = tpu.memref_squeeze %dma_wait3A_37 : memref<1x128xi32, #tpu.memory_space<vmem>> -> memref<128xi32, #tpu.memory_space<vmem>>
    %dma_wait3A_39 = arith.constant 0 : i32
    %dma_wait3A_40 = arith.constant 0 : i32
    %dma_wait3A_41 = tpu.memref_slice %arg2[%dma_wait3A_39, %dma_wait3A_40] : memref<20000x128xf32, #tpu.memory_space<hbm>> -> memref<20000x128xf32, #tpu.memory_space<hbm>>
    tpu.wait_indirect_dma semaphore(%arg12 : memref<!tpu.dma_semaphore, #tpu.memory_space<semaphore_mem>>) src(%dma_wait3A_41 : memref<20000x128xf32, #tpu.memory_space<hbm>>) dst(%arg9 : memref<128x128xf32, #tpu.memory_space<vmem>>)
    %dma_start3A_42 = arith.constant 39 : i32
    %dma_start3A_43 = arith.constant 0 : i32
    %dma_start3A_44 = tpu.memref_slice %arg7[%dma_start3A_42, %dma_start3A_43] : memref<40x128xi32, #tpu.memory_space<vmem>> -> memref<1x128xi32, #tpu.memory_space<vmem>>
    %dma_start3A_45 = tpu.memref_squeeze %dma_start3A_44 : memref<1x128xi32, #tpu.memory_space<vmem>> -> memref<128xi32, #tpu.memory_space<vmem>>
    %dma_start3A_46 = arith.constant 0 : i32
    %dma_start3A_47 = arith.constant 0 : i32
    %dma_start3A_48 = tpu.memref_slice %arg10[%dma_start3A_46, %dma_start3A_47] : memref<10112x128xf32, #tpu.memory_space<vmem_shared>> -> memref<10112x128xf32, #tpu.memory_space<vmem_shared>>
    tpu.enqueue_indirect_dma source(%arg9 : memref<128x128xf32, #tpu.memory_space<vmem>>) target(%dma_start3A_48 : memref<10112x128xf32, #tpu.memory_space<vmem_shared>>) offsets(%dma_start3A_45 : memref<128xi32, #tpu.memory_space<vmem>>) semaphore(%arg14 : memref<!tpu.dma_semaphore, #tpu.memory_space<semaphore_mem>>) {add = true}
    %dma_wait3A_49 = arith.constant 38 : i32
    %dma_wait3A_50 = arith.constant 0 : i32
    %dma_wait3A_51 = tpu.memref_slice %arg7[%dma_wait3A_49, %dma_wait3A_50] : memref<40x128xi32, #tpu.memory_space<vmem>> -> memref<1x128xi32, #tpu.memory_space<vmem>>
    %dma_wait3A_52 = tpu.memref_squeeze %dma_wait3A_51 : memref<1x128xi32, #tpu.memory_space<vmem>> -> memref<128xi32, #tpu.memory_space<vmem>>
    %dma_wait3A_53 = arith.constant 0 : i32
    %dma_wait3A_54 = arith.constant 0 : i32
    %dma_wait3A_55 = tpu.memref_slice %arg10[%dma_wait3A_53, %dma_wait3A_54] : memref<10112x128xf32, #tpu.memory_space<vmem_shared>> -> memref<10112x128xf32, #tpu.memory_space<vmem_shared>>
    tpu.wait_indirect_dma semaphore(%arg13 : memref<!tpu.dma_semaphore, #tpu.memory_space<semaphore_mem>>) src(%arg8 : memref<128x128xf32, #tpu.memory_space<vmem>>) dst(%dma_wait3A_55 : memref<10112x128xf32, #tpu.memory_space<vmem_shared>>)
    %dma_wait3A_56 = arith.constant 39 : i32
    %dma_wait3A_57 = arith.constant 0 : i32
    %dma_wait3A_58 = tpu.memref_slice %arg7[%dma_wait3A_56, %dma_wait3A_57] : memref<40x128xi32, #tpu.memory_space<vmem>> -> memref<1x128xi32, #tpu.memory_space<vmem>>
    %dma_wait3A_59 = tpu.memref_squeeze %dma_wait3A_58 : memref<1x128xi32, #tpu.memory_space<vmem>> -> memref<128xi32, #tpu.memory_space<vmem>>
    %dma_wait3A_60 = arith.constant 0 : i32
    %dma_wait3A_61 = arith.constant 0 : i32
    %dma_wait3A_62 = tpu.memref_slice %arg10[%dma_wait3A_60, %dma_wait3A_61] : memref<10112x128xf32, #tpu.memory_space<vmem_shared>> -> memref<10112x128xf32, #tpu.memory_space<vmem_shared>>
    tpu.wait_indirect_dma semaphore(%arg14 : memref<!tpu.dma_semaphore, #tpu.memory_space<semaphore_mem>>) src(%arg9 : memref<128x128xf32, #tpu.memory_space<vmem>>) dst(%dma_wait3A_62 : memref<10112x128xf32, #tpu.memory_space<vmem_shared>>)
    "tpu.region"() ({
      %run_scoped3A = tpu.sem_alloc : memref<!tpu.dma_semaphore, #tpu.memory_space<semaphore_mem>>
      %dma_start3A_113 = arith.constant 40 : i32
      %dma_start3A_114 = arith.constant 0 : i32
      %dma_start3A_115 = tpu.memref_slice %arg3[%arg0, %arg1, %dma_start3A_113, %dma_start3A_114] : memref<2x16x80x128xi32, #tpu.memory_space<hbm>> -> memref<1x1x40x128xi32, #tpu.memory_space<hbm>>
      %dma_start3A_116 = tpu.memref_squeeze %dma_start3A_115 : memref<1x1x40x128xi32, #tpu.memory_space<hbm>> -> memref<40x128xi32, #tpu.memory_space<hbm>>
      %dma_start3A_117 = arith.constant 40 : i32
      %dma_start3A_118 = arith.constant 0 : i32
      %dma_start3A_119 = tpu.memref_slice %arg3[%arg0, %arg1, %dma_start3A_117, %dma_start3A_118] : memref<2x16x80x128xi32, #tpu.memory_space<hbm>> -> memref<1x1x40x128xi32, #tpu.memory_space<hbm>>
      %dma_start3A_120 = tpu.memref_squeeze %dma_start3A_119 : memref<1x1x40x128xi32, #tpu.memory_space<hbm>> -> memref<40x128xi32, #tpu.memory_space<hbm>>
      tpu.enqueue_dma source(%dma_start3A_120 : memref<40x128xi32, #tpu.memory_space<hbm>>) target(%arg6 : memref<40x128xi32, #tpu.memory_space<vmem>>) target_semaphore(%run_scoped3A : memref<!tpu.dma_semaphore, #tpu.memory_space<semaphore_mem>>)
      %dma_wait3A_121 = arith.constant 40 : i32
      %dma_wait3A_122 = arith.constant 0 : i32
      %dma_wait3A_123 = tpu.memref_slice %arg3[%arg0, %arg1, %dma_wait3A_121, %dma_wait3A_122] : memref<2x16x80x128xi32, #tpu.memory_space<hbm>> -> memref<1x1x40x128xi32, #tpu.memory_space<hbm>>
      %dma_wait3A_124 = tpu.memref_squeeze %dma_wait3A_123 : memref<1x1x40x128xi32, #tpu.memory_space<hbm>> -> memref<40x128xi32, #tpu.memory_space<hbm>>
      %dma_wait3A_125 = arith.constant 40 : i32
      %dma_wait3A_126 = arith.constant 0 : i32
      %dma_wait3A_127 = tpu.memref_slice %arg3[%arg0, %arg1, %dma_wait3A_125, %dma_wait3A_126] : memref<2x16x80x128xi32, #tpu.memory_space<hbm>> -> memref<1x1x40x128xi32, #tpu.memory_space<hbm>>
      %dma_wait3A_128 = tpu.memref_squeeze %dma_wait3A_127 : memref<1x1x40x128xi32, #tpu.memory_space<hbm>> -> memref<40x128xi32, #tpu.memory_space<hbm>>
      tpu.wait_dma2 semaphore(%run_scoped3A : memref<!tpu.dma_semaphore, #tpu.memory_space<semaphore_mem>>) src(%dma_wait3A_128 : memref<40x128xi32, #tpu.memory_space<hbm>>) dst(%arg6 : memref<40x128xi32, #tpu.memory_space<vmem>>)
      tpu.yield
    }) : () -> ()
    "tpu.region"() ({
      %run_scoped3A = tpu.sem_alloc : memref<!tpu.dma_semaphore, #tpu.memory_space<semaphore_mem>>
      %dma_start3A_113 = arith.constant 40 : i32
      %dma_start3A_114 = arith.constant 0 : i32
      %dma_start3A_115 = tpu.memref_slice %arg4[%arg1, %dma_start3A_113, %dma_start3A_114] : memref<16x80x128xi32, #tpu.memory_space<hbm>> -> memref<1x40x128xi32, #tpu.memory_space<hbm>>
      %dma_start3A_116 = tpu.memref_squeeze %dma_start3A_115 : memref<1x40x128xi32, #tpu.memory_space<hbm>> -> memref<40x128xi32, #tpu.memory_space<hbm>>
      %dma_start3A_117 = arith.constant 40 : i32
      %dma_start3A_118 = arith.constant 0 : i32
      %dma_start3A_119 = tpu.memref_slice %arg4[%arg1, %dma_start3A_117, %dma_start3A_118] : memref<16x80x128xi32, #tpu.memory_space<hbm>> -> memref<1x40x128xi32, #tpu.memory_space<hbm>>
      %dma_start3A_120 = tpu.memref_squeeze %dma_start3A_119 : memref<1x40x128xi32, #tpu.memory_space<hbm>> -> memref<40x128xi32, #tpu.memory_space<hbm>>
      tpu.enqueue_dma source(%dma_start3A_120 : memref<40x128xi32, #tpu.memory_space<hbm>>) target(%arg7 : memref<40x128xi32, #tpu.memory_space<vmem>>) target_semaphore(%run_scoped3A : memref<!tpu.dma_semaphore, #tpu.memory_space<semaphore_mem>>)
      %dma_wait3A_121 = arith.constant 40 : i32
      %dma_wait3A_122 = arith.constant 0 : i32
      %dma_wait3A_123 = tpu.memref_slice %arg4[%arg1, %dma_wait3A_121, %dma_wait3A_122] : memref<16x80x128xi32, #tpu.memory_space<hbm>> -> memref<1x40x128xi32, #tpu.memory_space<hbm>>
      %dma_wait3A_124 = tpu.memref_squeeze %dma_wait3A_123 : memref<1x40x128xi32, #tpu.memory_space<hbm>> -> memref<40x128xi32, #tpu.memory_space<hbm>>
      %dma_wait3A_125 = arith.constant 40 : i32
      %dma_wait3A_126 = arith.constant 0 : i32
      %dma_wait3A_127 = tpu.memref_slice %arg4[%arg1, %dma_wait3A_125, %dma_wait3A_126] : memref<16x80x128xi32, #tpu.memory_space<hbm>> -> memref<1x40x128xi32, #tpu.memory_space<hbm>>
      %dma_wait3A_128 = tpu.memref_squeeze %dma_wait3A_127 : memref<1x40x128xi32, #tpu.memory_space<hbm>> -> memref<40x128xi32, #tpu.memory_space<hbm>>
      tpu.wait_dma2 semaphore(%run_scoped3A : memref<!tpu.dma_semaphore, #tpu.memory_space<semaphore_mem>>) src(%dma_wait3A_128 : memref<40x128xi32, #tpu.memory_space<hbm>>) dst(%arg7 : memref<40x128xi32, #tpu.memory_space<vmem>>)
      tpu.yield
    }) : () -> ()
    %dma_start3A_63 = arith.constant 0 : i32
    %dma_start3A_64 = arith.constant 0 : i32
    %dma_start3A_65 = tpu.memref_slice %arg6[%dma_start3A_63, %dma_start3A_64] : memref<40x128xi32, #tpu.memory_space<vmem>> -> memref<1x128xi32, #tpu.memory_space<vmem>>
    %dma_start3A_66 = tpu.memref_squeeze %dma_start3A_65 : memref<1x128xi32, #tpu.memory_space<vmem>> -> memref<128xi32, #tpu.memory_space<vmem>>
    %dma_start3A_67 = arith.constant 0 : i32
    %dma_start3A_68 = arith.constant 0 : i32
    %dma_start3A_69 = tpu.memref_slice %arg2[%dma_start3A_67, %dma_start3A_68] : memref<20000x128xf32, #tpu.memory_space<hbm>> -> memref<20000x128xf32, #tpu.memory_space<hbm>>
    tpu.enqueue_indirect_dma source(%dma_start3A_69 : memref<20000x128xf32, #tpu.memory_space<hbm>>) target(%arg8 : memref<128x128xf32, #tpu.memory_space<vmem>>) offsets(%dma_start3A_66 : memref<128xi32, #tpu.memory_space<vmem>>) semaphore(%arg11 : memref<!tpu.dma_semaphore, #tpu.memory_space<semaphore_mem>>)
    %dma_start3A_70 = arith.constant 1 : i32
    %dma_start3A_71 = arith.constant 0 : i32
    %dma_start3A_72 = tpu.memref_slice %arg6[%dma_start3A_70, %dma_start3A_71] : memref<40x128xi32, #tpu.memory_space<vmem>> -> memref<1x128xi32, #tpu.memory_space<vmem>>
    %dma_start3A_73 = tpu.memref_squeeze %dma_start3A_72 : memref<1x128xi32, #tpu.memory_space<vmem>> -> memref<128xi32, #tpu.memory_space<vmem>>
    %dma_start3A_74 = arith.constant 0 : i32
    %dma_start3A_75 = arith.constant 0 : i32
    %dma_start3A_76 = tpu.memref_slice %arg2[%dma_start3A_74, %dma_start3A_75] : memref<20000x128xf32, #tpu.memory_space<hbm>> -> memref<20000x128xf32, #tpu.memory_space<hbm>>
    tpu.enqueue_indirect_dma source(%dma_start3A_76 : memref<20000x128xf32, #tpu.memory_space<hbm>>) target(%arg9 : memref<128x128xf32, #tpu.memory_space<vmem>>) offsets(%dma_start3A_73 : memref<128xi32, #tpu.memory_space<vmem>>) semaphore(%arg12 : memref<!tpu.dma_semaphore, #tpu.memory_space<semaphore_mem>>)
    %scan3A_77 = arith.constant 0 : i32
    %scan3A_78 = arith.constant 0 : i32
    %scan3A_79 = arith.constant 20 : i32
    %scan3A_80 = arith.addi %scan3A_78, %scan3A_79 : i32
    %scan3A_81 = arith.constant 1 : i32
    %scan3A_82 = scf.for %scan3A_113 = %scan3A_78 to %scan3A_80 step %scan3A_81 iter_args(%scan3A_114 = %scan3A_77) -> (i32)  : i32 {
      %mul3A_115 = arith.constant 2 : i32
      %mul3A_116 = arith.muli %mul3A_115, %scan3A_113 : i32
      %add3A_117 = arith.constant 1 : i32
      %add3A_118 = arith.addi %mul3A_116, %add3A_117 : i32
      %ge3A = arith.constant 1 : i32
      %ge3A_119 = arith.cmpi sge, %scan3A_113, %ge3A : i32
      %convert_element_type3A = arith.extui %ge3A_119 : i1 to i32
      %cond3A = arith.constant 0 : i32
      %cond3A_120 = arith.cmpi ne, %convert_element_type3A, %cond3A : i32
      scf.if %cond3A_120 {
        %sub3A = arith.constant 2 : i32
        %sub3A_134 = arith.subi %mul3A_116, %sub3A : i32
        %dma_wait3A_135 = arith.constant 0 : i32
        %dma_wait3A_136 = tpu.memref_slice %arg7[%sub3A_134, %dma_wait3A_135] : memref<40x128xi32, #tpu.memory_space<vmem>> -> memref<1x128xi32, #tpu.memory_space<vmem>>
        %dma_wait3A_137 = tpu.memref_squeeze %dma_wait3A_136 : memref<1x128xi32, #tpu.memory_space<vmem>> -> memref<128xi32, #tpu.memory_space<vmem>>
        %dma_wait3A_138 = arith.constant 0 : i32
        %dma_wait3A_139 = arith.constant 0 : i32
        %dma_wait3A_140 = tpu.memref_slice %arg10[%dma_wait3A_138, %dma_wait3A_139] : memref<10112x128xf32, #tpu.memory_space<vmem_shared>> -> memref<10112x128xf32, #tpu.memory_space<vmem_shared>>
        tpu.wait_indirect_dma semaphore(%arg13 : memref<!tpu.dma_semaphore, #tpu.memory_space<semaphore_mem>>) src(%arg8 : memref<128x128xf32, #tpu.memory_space<vmem>>) dst(%dma_wait3A_140 : memref<10112x128xf32, #tpu.memory_space<vmem_shared>>)
        %dma_start3A_141 = arith.constant 0 : i32
        %dma_start3A_142 = tpu.memref_slice %arg6[%mul3A_116, %dma_start3A_141] : memref<40x128xi32, #tpu.memory_space<vmem>> -> memref<1x128xi32, #tpu.memory_space<vmem>>
        %dma_start3A_143 = tpu.memref_squeeze %dma_start3A_142 : memref<1x128xi32, #tpu.memory_space<vmem>> -> memref<128xi32, #tpu.memory_space<vmem>>
        %dma_start3A_144 = arith.constant 0 : i32
        %dma_start3A_145 = arith.constant 0 : i32
        %dma_start3A_146 = tpu.memref_slice %arg2[%dma_start3A_144, %dma_start3A_145] : memref<20000x128xf32, #tpu.memory_space<hbm>> -> memref<20000x128xf32, #tpu.memory_space<hbm>>
        tpu.enqueue_indirect_dma source(%dma_start3A_146 : memref<20000x128xf32, #tpu.memory_space<hbm>>) target(%arg8 : memref<128x128xf32, #tpu.memory_space<vmem>>) offsets(%dma_start3A_143 : memref<128xi32, #tpu.memory_space<vmem>>) semaphore(%arg11 : memref<!tpu.dma_semaphore, #tpu.memory_space<semaphore_mem>>)
        %sub3A_147 = arith.constant 1 : i32
        %sub3A_148 = arith.subi %mul3A_116, %sub3A_147 : i32
        %dma_wait3A_149 = arith.constant 0 : i32
        %dma_wait3A_150 = tpu.memref_slice %arg6[%sub3A_148, %dma_wait3A_149] : memref<40x128xi32, #tpu.memory_space<vmem>> -> memref<1x128xi32, #tpu.memory_space<vmem>>
        %dma_wait3A_151 = tpu.memref_squeeze %dma_wait3A_150 : memref<1x128xi32, #tpu.memory_space<vmem>> -> memref<128xi32, #tpu.memory_space<vmem>>
        %dma_wait3A_152 = arith.constant 0 : i32
        %dma_wait3A_153 = arith.constant 0 : i32
        %dma_wait3A_154 = tpu.memref_slice %arg2[%dma_wait3A_152, %dma_wait3A_153] : memref<20000x128xf32, #tpu.memory_space<hbm>> -> memref<20000x128xf32, #tpu.memory_space<hbm>>
        tpu.wait_indirect_dma semaphore(%arg12 : memref<!tpu.dma_semaphore, #tpu.memory_space<semaphore_mem>>) src(%dma_wait3A_154 : memref<20000x128xf32, #tpu.memory_space<hbm>>) dst(%arg9 : memref<128x128xf32, #tpu.memory_space<vmem>>)
        %sub3A_155 = arith.constant 1 : i32
        %sub3A_156 = arith.subi %mul3A_116, %sub3A_155 : i32
        %dma_start3A_157 = arith.constant 0 : i32
        %dma_start3A_158 = tpu.memref_slice %arg7[%sub3A_156, %dma_start3A_157] : memref<40x128xi32, #tpu.memory_space<vmem>> -> memref<1x128xi32, #tpu.memory_space<vmem>>
        %dma_start3A_159 = tpu.memref_squeeze %dma_start3A_158 : memref<1x128xi32, #tpu.memory_space<vmem>> -> memref<128xi32, #tpu.memory_space<vmem>>
        %dma_start3A_160 = arith.constant 0 : i32
        %dma_start3A_161 = arith.constant 0 : i32
        %dma_start3A_162 = tpu.memref_slice %arg10[%dma_start3A_160, %dma_start3A_161] : memref<10112x128xf32, #tpu.memory_space<vmem_shared>> -> memref<10112x128xf32, #tpu.memory_space<vmem_shared>>
        tpu.enqueue_indirect_dma source(%arg9 : memref<128x128xf32, #tpu.memory_space<vmem>>) target(%dma_start3A_162 : memref<10112x128xf32, #tpu.memory_space<vmem_shared>>) offsets(%dma_start3A_159 : memref<128xi32, #tpu.memory_space<vmem>>) semaphore(%arg14 : memref<!tpu.dma_semaphore, #tpu.memory_space<semaphore_mem>>) {add = true}
        %sub3A_163 = arith.constant 2 : i32
        %sub3A_164 = arith.subi %add3A_118, %sub3A_163 : i32
        %dma_wait3A_165 = arith.constant 0 : i32
        %dma_wait3A_166 = tpu.memref_slice %arg7[%sub3A_164, %dma_wait3A_165] : memref<40x128xi32, #tpu.memory_space<vmem>> -> memref<1x128xi32, #tpu.memory_space<vmem>>
        %dma_wait3A_167 = tpu.memref_squeeze %dma_wait3A_166 : memref<1x128xi32, #tpu.memory_space<vmem>> -> memref<128xi32, #tpu.memory_space<vmem>>
        %dma_wait3A_168 = arith.constant 0 : i32
        %dma_wait3A_169 = arith.constant 0 : i32
        %dma_wait3A_170 = tpu.memref_slice %arg10[%dma_wait3A_168, %dma_wait3A_169] : memref<10112x128xf32, #tpu.memory_space<vmem_shared>> -> memref<10112x128xf32, #tpu.memory_space<vmem_shared>>
        tpu.wait_indirect_dma semaphore(%arg14 : memref<!tpu.dma_semaphore, #tpu.memory_space<semaphore_mem>>) src(%arg9 : memref<128x128xf32, #tpu.memory_space<vmem>>) dst(%dma_wait3A_170 : memref<10112x128xf32, #tpu.memory_space<vmem_shared>>)
        %dma_start3A_171 = arith.constant 0 : i32
        %dma_start3A_172 = tpu.memref_slice %arg6[%add3A_118, %dma_start3A_171] : memref<40x128xi32, #tpu.memory_space<vmem>> -> memref<1x128xi32, #tpu.memory_space<vmem>>
        %dma_start3A_173 = tpu.memref_squeeze %dma_start3A_172 : memref<1x128xi32, #tpu.memory_space<vmem>> -> memref<128xi32, #tpu.memory_space<vmem>>
        %dma_start3A_174 = arith.constant 0 : i32
        %dma_start3A_175 = arith.constant 0 : i32
        %dma_start3A_176 = tpu.memref_slice %arg2[%dma_start3A_174, %dma_start3A_175] : memref<20000x128xf32, #tpu.memory_space<hbm>> -> memref<20000x128xf32, #tpu.memory_space<hbm>>
        tpu.enqueue_indirect_dma source(%dma_start3A_176 : memref<20000x128xf32, #tpu.memory_space<hbm>>) target(%arg9 : memref<128x128xf32, #tpu.memory_space<vmem>>) offsets(%dma_start3A_173 : memref<128xi32, #tpu.memory_space<vmem>>) semaphore(%arg12 : memref<!tpu.dma_semaphore, #tpu.memory_space<semaphore_mem>>)
      } else {
      }
      %dma_wait3A_121 = arith.constant 0 : i32
      %dma_wait3A_122 = tpu.memref_slice %arg6[%mul3A_116, %dma_wait3A_121] : memref<40x128xi32, #tpu.memory_space<vmem>> -> memref<1x128xi32, #tpu.memory_space<vmem>>
      %dma_wait3A_123 = tpu.memref_squeeze %dma_wait3A_122 : memref<1x128xi32, #tpu.memory_space<vmem>> -> memref<128xi32, #tpu.memory_space<vmem>>
      %dma_wait3A_124 = arith.constant 0 : i32
      %dma_wait3A_125 = arith.constant 0 : i32
      %dma_wait3A_126 = tpu.memref_slice %arg2[%dma_wait3A_124, %dma_wait3A_125] : memref<20000x128xf32, #tpu.memory_space<hbm>> -> memref<20000x128xf32, #tpu.memory_space<hbm>>
      tpu.wait_indirect_dma semaphore(%arg11 : memref<!tpu.dma_semaphore, #tpu.memory_space<semaphore_mem>>) src(%dma_wait3A_126 : memref<20000x128xf32, #tpu.memory_space<hbm>>) dst(%arg8 : memref<128x128xf32, #tpu.memory_space<vmem>>)
      %dma_start3A_127 = arith.constant 0 : i32
      %dma_start3A_128 = tpu.memref_slice %arg7[%mul3A_116, %dma_start3A_127] : memref<40x128xi32, #tpu.memory_space<vmem>> -> memref<1x128xi32, #tpu.memory_space<vmem>>
      %dma_start3A_129 = tpu.memref_squeeze %dma_start3A_128 : memref<1x128xi32, #tpu.memory_space<vmem>> -> memref<128xi32, #tpu.memory_space<vmem>>
      %dma_start3A_130 = arith.constant 0 : i32
      %dma_start3A_131 = arith.constant 0 : i32
      %dma_start3A_132 = tpu.memref_slice %arg10[%dma_start3A_130, %dma_start3A_131] : memref<10112x128xf32, #tpu.memory_space<vmem_shared>> -> memref<10112x128xf32, #tpu.memory_space<vmem_shared>>
      tpu.enqueue_indirect_dma source(%arg8 : memref<128x128xf32, #tpu.memory_space<vmem>>) target(%dma_start3A_132 : memref<10112x128xf32, #tpu.memory_space<vmem_shared>>) offsets(%dma_start3A_129 : memref<128xi32, #tpu.memory_space<vmem>>) semaphore(%arg13 : memref<!tpu.dma_semaphore, #tpu.memory_space<semaphore_mem>>) {add = true}
      %scan3A_133 = arith.constant 0 : i32
      scf.yield %scan3A_133 : i32
    }
    %scan3A_83 = arith.constant 20 : i32
    %dma_wait3A_84 = arith.constant 39 : i32
    %dma_wait3A_85 = arith.constant 0 : i32
    %dma_wait3A_86 = tpu.memref_slice %arg6[%dma_wait3A_84, %dma_wait3A_85] : memref<40x128xi32, #tpu.memory_space<vmem>> -> memref<1x128xi32, #tpu.memory_space<vmem>>
    %dma_wait3A_87 = tpu.memref_squeeze %dma_wait3A_86 : memref<1x128xi32, #tpu.memory_space<vmem>> -> memref<128xi32, #tpu.memory_space<vmem>>
    %dma_wait3A_88 = arith.constant 0 : i32
    %dma_wait3A_89 = arith.constant 0 : i32
    %dma_wait3A_90 = tpu.memref_slice %arg2[%dma_wait3A_88, %dma_wait3A_89] : memref<20000x128xf32, #tpu.memory_space<hbm>> -> memref<20000x128xf32, #tpu.memory_space<hbm>>
    tpu.wait_indirect_dma semaphore(%arg12 : memref<!tpu.dma_semaphore, #tpu.memory_space<semaphore_mem>>) src(%dma_wait3A_90 : memref<20000x128xf32, #tpu.memory_space<hbm>>) dst(%arg9 : memref<128x128xf32, #tpu.memory_space<vmem>>)
    %dma_start3A_91 = arith.constant 39 : i32
    %dma_start3A_92 = arith.constant 0 : i32
    %dma_start3A_93 = tpu.memref_slice %arg7[%dma_start3A_91, %dma_start3A_92] : memref<40x128xi32, #tpu.memory_space<vmem>> -> memref<1x128xi32, #tpu.memory_space<vmem>>
    %dma_start3A_94 = tpu.memref_squeeze %dma_start3A_93 : memref<1x128xi32, #tpu.memory_space<vmem>> -> memref<128xi32, #tpu.memory_space<vmem>>
    %dma_start3A_95 = arith.constant 0 : i32
    %dma_start3A_96 = arith.constant 0 : i32
    %dma_start3A_97 = tpu.memref_slice %arg10[%dma_start3A_95, %dma_start3A_96] : memref<10112x128xf32, #tpu.memory_space<vmem_shared>> -> memref<10112x128xf32, #tpu.memory_space<vmem_shared>>
    tpu.enqueue_indirect_dma source(%arg9 : memref<128x128xf32, #tpu.memory_space<vmem>>) target(%dma_start3A_97 : memref<10112x128xf32, #tpu.memory_space<vmem_shared>>) offsets(%dma_start3A_94 : memref<128xi32, #tpu.memory_space<vmem>>) semaphore(%arg14 : memref<!tpu.dma_semaphore, #tpu.memory_space<semaphore_mem>>) {add = true}
    %dma_wait3A_98 = arith.constant 38 : i32
    %dma_wait3A_99 = arith.constant 0 : i32
    %dma_wait3A_100 = tpu.memref_slice %arg7[%dma_wait3A_98, %dma_wait3A_99] : memref<40x128xi32, #tpu.memory_space<vmem>> -> memref<1x128xi32, #tpu.memory_space<vmem>>
    %dma_wait3A_101 = tpu.memref_squeeze %dma_wait3A_100 : memref<1x128xi32, #tpu.memory_space<vmem>> -> memref<128xi32, #tpu.memory_space<vmem>>
    %dma_wait3A_102 = arith.constant 0 : i32
    %dma_wait3A_103 = arith.constant 0 : i32
    %dma_wait3A_104 = tpu.memref_slice %arg10[%dma_wait3A_102, %dma_wait3A_103] : memref<10112x128xf32, #tpu.memory_space<vmem_shared>> -> memref<10112x128xf32, #tpu.memory_space<vmem_shared>>
    tpu.wait_indirect_dma semaphore(%arg13 : memref<!tpu.dma_semaphore, #tpu.memory_space<semaphore_mem>>) src(%arg8 : memref<128x128xf32, #tpu.memory_space<vmem>>) dst(%dma_wait3A_104 : memref<10112x128xf32, #tpu.memory_space<vmem_shared>>)
    %dma_wait3A_105 = arith.constant 39 : i32
    %dma_wait3A_106 = arith.constant 0 : i32
    %dma_wait3A_107 = tpu.memref_slice %arg7[%dma_wait3A_105, %dma_wait3A_106] : memref<40x128xi32, #tpu.memory_space<vmem>> -> memref<1x128xi32, #tpu.memory_space<vmem>>
    %dma_wait3A_108 = tpu.memref_squeeze %dma_wait3A_107 : memref<1x128xi32, #tpu.memory_space<vmem>> -> memref<128xi32, #tpu.memory_space<vmem>>
    %dma_wait3A_109 = arith.constant 0 : i32
    %dma_wait3A_110 = arith.constant 0 : i32
    %dma_wait3A_111 = tpu.memref_slice %arg10[%dma_wait3A_109, %dma_wait3A_110] : memref<10112x128xf32, #tpu.memory_space<vmem_shared>> -> memref<10112x128xf32, #tpu.memory_space<vmem_shared>>
    tpu.wait_indirect_dma semaphore(%arg14 : memref<!tpu.dma_semaphore, #tpu.memory_space<semaphore_mem>>) src(%arg9 : memref<128x128xf32, #tpu.memory_space<vmem>>) dst(%dma_wait3A_111 : memref<10112x128xf32, #tpu.memory_space<vmem_shared>>)
    %barrier3A_112 = arith.constant 0 : index
    tpu.barrier barrier_id(%barrier3A_112)
    "tpu.region"() ({
      %run_scoped3A = tpu.sem_alloc : memref<!tpu.dma_semaphore, #tpu.memory_space<semaphore_mem>>
      %dma_start3A_113 = arith.constant 0 : i32
      %dma_start3A_114 = tpu.memref_slice %arg5[%arg0, %mul3A_6, %dma_start3A_113] : memref<2x10112x128xf32, #tpu.memory_space<hbm>> -> memref<1x632x128xf32, #tpu.memory_space<hbm>>
      %dma_start3A_115 = tpu.memref_squeeze %dma_start3A_114 : memref<1x632x128xf32, #tpu.memory_space<hbm>> -> memref<632x128xf32, #tpu.memory_space<hbm>>
      %dma_start3A_116 = arith.constant 0 : i32
      %dma_start3A_117 = tpu.memref_slice %arg10[%mul3A_6, %dma_start3A_116] : memref<10112x128xf32, #tpu.memory_space<vmem_shared>> -> memref<632x128xf32, #tpu.memory_space<vmem_shared>>
      tpu.enqueue_dma source(%dma_start3A_117 : memref<632x128xf32, #tpu.memory_space<vmem_shared>>) target(%dma_start3A_115 : memref<632x128xf32, #tpu.memory_space<hbm>>) target_semaphore(%run_scoped3A : memref<!tpu.dma_semaphore, #tpu.memory_space<semaphore_mem>>)
      %dma_wait3A_118 = arith.constant 0 : i32
      %dma_wait3A_119 = tpu.memref_slice %arg5[%arg0, %mul3A_6, %dma_wait3A_118] : memref<2x10112x128xf32, #tpu.memory_space<hbm>> -> memref<1x632x128xf32, #tpu.memory_space<hbm>>
      %dma_wait3A_120 = tpu.memref_squeeze %dma_wait3A_119 : memref<1x632x128xf32, #tpu.memory_space<hbm>> -> memref<632x128xf32, #tpu.memory_space<hbm>>
      %dma_wait3A_121 = arith.constant 0 : i32
      %dma_wait3A_122 = tpu.memref_slice %arg10[%mul3A_6, %dma_wait3A_121] : memref<10112x128xf32, #tpu.memory_space<vmem_shared>> -> memref<632x128xf32, #tpu.memory_space<vmem_shared>>
      tpu.wait_dma2 semaphore(%run_scoped3A : memref<!tpu.dma_semaphore, #tpu.memory_space<semaphore_mem>>) src(%dma_wait3A_122 : memref<632x128xf32, #tpu.memory_space<vmem_shared>>) dst(%dma_wait3A_120 : memref<632x128xf32, #tpu.memory_space<hbm>>)
      tpu.yield
    }) : () -> ()
    return
  }
}

</mosaic_0001>

<sc_bundles>
// kernel: _sc_segment_sum.3.cloned.1.call-start
scs
__scs_entry_jumppad:
0x0: {  	(pc) =	sbr.rel $0x88, $3  }
0x1: {  	(tag) =	ssettag $0x0;
	lr =	simm.s32 $0x1  }
0x2: {  	[smem:$0x3F9E] =	sst lr;
	_ =	strace $0xD0000000  }
0x3: {  	_ = 	snop  }
0x4: {  	_ = 	snop  }
0x5: {  	_ = 	snop  }
0x6: {  	_ = 	snop  }
0x7: {  	_ = 	snop  }
__scs_overlays_trampoline_lowered:
0x8: {  	[smem:$0x3FAD] =	sst s0  }
0x9: {  	[smem:$0x3FAE] =	sst s1  }
0xa: {  	[smem:$0x3FAF] =	sst s2  }
0xb: {  	[smem:$0x3FB0] =	sst s3  }
0xc: {  	[smem:$0x3FB1] =	sst s4  }
0xd: {  	[smem:$0x3FB2] =	sst s5  }
0xe: {  	[smem:$0x3FB3] =	sst s6  }
0xf: {  	[smem:$0x3FB4] =	sst s7  }
0x10: {  	[smem:$0x3FB5] =	sst s8  }
0x11: {  	[smem:$0x3FB6] =	sst s9;
	s0 =	simm.s32 @!p0 $0x0  }
0x12: {  	s1 =	sld [smem:$0x3F9C];
	s0 =	simm.s32 @p0 $0x1  }
0x13: {  	[smem:$0x3FB7] =	sst s0;
	s0 =	simm.s32 @!p1 $0x0  }
0x14: {  	s2 =	sld [smem:$0x3F9B];
	s0 =	simm.s32 @p1 $0x1  }
0x15: {  	[smem:$0x3FB8] =	sst s0;
	s0 =	simm.s32 @!p2 $0x0  }
0x16: {  	s3 =	sld [smem:$0x3FDB];
	s0 =	simm.s32 @p2 $0x1  }
0x17: {  	s4 =	simm.s32 $0x1BF5;
	[smem:$0x3FBA] =	sst s0  }
0x18: {  	s0 =	sld [smem:$0x3F9D];
	_ =	swait.ge [sflag:s4], $0x0  }
0x19: {  	s7 =	sld [smem:$0x3F9E]  }
0x1a: {  	s8 =	sadd.s32 $0xFFFFE003, lr  }
0x1b: {  	s9 =	sadd.s32 $0xFFFFFEF7, lr;
	s5 =	simm.s32 $0xFFFFFFFF;
	p2 =	slt.u32 s8, $0xFFFFF086  }
0x1c: {  	p1 =	slt.u32 s9, $0xF7A;
	s5 =	simm.s32 @!p2 $0x0  }
0x1d: {  	s5 =	simm.s32 @p1 $0x1;
	p0 =	seq.s32 s7, s2  }
0x1e: {  	s7 =	smul.u32 @!p0 $0xF7A, s2;
	p2 =	seq.s32 @!p0 s5, $0x0  }
0x1f: {  	s9 =	smul.u32 $0xF7A, s1;
	s8 =	simm.s32 @!p0 $0x1BF5;
	p2 =	por !p2, p0  }
0x20: {  	[sflag:s8] =	ssyncset.s32 @!p0 $0xFFFFF086;
	s6 =	sadd.s32 @!p0 s3, s7;
	s7 =	simm.s32 @!p0 $0x108  }
0x21: {  	s3 =	sadd.s32 s3, s9;
	s6 =	sadd.s32 @!p0 $0x88, s6;
	s7 =	simm.s32 @p2 $0x1082  }
0x22: {  	[simem:s7], [sflag:s8] =	dma.local @!p0 [hbm:s6], $0xF7A  }
0x23: {  	s9 =	sor.u32 $0xD0000000, s2;
	s6 =	simm.s32 $0x108;
	_ =	swait.ge @!p0 [sflag:s8], $0x0  }
0x24: {  	s3 =	sadd.s32 $0x88, s3;
	s6 =	simm.s32 @!p1 $0x1082;
	[sflag:s4] =	ssyncset.s32 $0xFFFFF086  }
0x25: {  	[simem:s6], [sflag:s4] =	dma.local [hbm:s3], $0xF7A  }
0x26: {  	[smem:$0x3F9E] =	sst s1;
	(tag) =	ssettag s2;
	_ =	strace s9  }
0x27: {  	s1 =	sld [smem:$0x3FAE]  }
0x28: {  	s2 =	sld [smem:$0x3FAF]  }
0x29: {  	s4 =	sld [smem:$0x3FB1]  }
0x2a: {  	p0 =	seq.s32 s5, $0x0;
	s5 =	sld [smem:$0x3FB2]  }
0x2b: {  	s6 =	sld [smem:$0x3FB3]  }
0x2c: {  	s7 =	sld [smem:$0x3FB4]  }
0x2d: {  	s3 =	simm.s32 $0x108;
	s8 =	sld [smem:$0x3FB5]  }
0x2e: {  	s3 =	simm.s32 @!p0 $0x1082;
	s9 =	sld [smem:$0x3FB6]  }
0x2f: {  	lr =	sadd.s32 s0, s3;
	s0 =	sld [smem:$0x3FAD]  }
0x30: {  	s3 =	sld [smem:$0x3FB0]  }
0x31: {  	[smem:$0x3FB9] =	sst s10  }
0x32: {  	s10 =	sld [smem:$0x3FB7];
	_ =	sdelay $0x3  }
0x33: {  	p0 =	seq.s32 s10, $0x1;
	s10 =	sld [smem:$0x3FB9];
	_ =	sdelay $0x3  }
0x34: {  	[smem:$0x3FB9] =	sst s10  }
0x35: {  	s10 =	sld [smem:$0x3FB8];
	_ =	sdelay $0x3  }
0x36: {  	p1 =	seq.s32 s10, $0x1;
	s10 =	sld [smem:$0x3FB9];
	_ =	sdelay $0x3  }
0x37: {  	[smem:$0x3FB9] =	sst s10  }
0x38: {  	s10 =	sld [smem:$0x3FBA]  }
0x39: {  	_ = 	snop;
	(pc) =	sbr.ind lr, $3  }
0x3a: {  	_ = 	snop  }
0x3b: {  	_ = 	snop  }
0x3c: {  	p2 =	seq.s32 s10, $0x1;
	s10 =	sld [smem:$0x3FB9]  }
0x3d: {  	_ =	shalt  }
0x3e: {  	_ =	shalt  }
0x3f: {  	_ =	shalt  }
0x40: {  	_ =	shalt  }
0x41: {  	_ =	shalt  }
0x42: {  	_ =	shalt  }
0x43: {  	_ =	shalt  }
0x44: {  	_ =	shalt  }
0x45: {  	_ =	shalt  }
0x46: {  	_ =	shalt  }
0x47: {  	_ =	shalt  }
0x48: {  	_ =	shalt  }
0x49: {  	_ =	shalt  }
0x4a: {  	_ =	shalt  }
0x4b: {  	_ =	shalt  }
0x4c: {  	_ =	shalt  }
0x4d: {  	_ =	shalt  }
0x4e: {  	_ =	shalt  }
0x4f: {  	_ =	shalt  }
0x50: {  	_ =	shalt  }
0x51: {  	_ =	shalt  }
0x52: {  	_ =	shalt  }
0x53: {  	_ =	shalt  }
0x54: {  	_ =	shalt  }
0x55: {  	_ =	shalt  }
0x56: {  	_ =	shalt  }
0x57: {  	_ =	shalt  }
0x58: {  	_ =	shalt  }
0x59: {  	_ =	shalt  }
0x5a: {  	_ =	shalt  }
0x5b: {  	_ =	shalt  }
0x5c: {  	_ =	shalt  }
0x5d: {  	_ =	shalt  }
0x5e: {  	_ =	shalt  }
0x5f: {  	_ =	shalt  }
0x60: {  	_ =	shalt  }
0x61: {  	_ =	shalt  }
0x62: {  	_ =	shalt  }
0x63: {  	_ =	shalt  }
0x64: {  	_ =	shalt  }
0x65: {  	_ =	shalt  }
0x66: {  	_ =	shalt  }
0x67: {  	_ =	shalt  }
0x68: {  	_ =	shalt  }
0x69: {  	_ =	shalt  }
0x6a: {  	_ =	shalt  }
0x6b: {  	_ =	shalt  }
0x6c: {  	_ =	shalt  }
0x6d: {  	_ =	shalt  }
0x6e: {  	_ =	shalt  }
0x6f: {  	_ =	shalt  }
0x70: {  	_ =	shalt  }
0x71: {  	_ =	shalt  }
0x72: {  	_ =	shalt  }
0x73: {  	_ =	shalt  }
0x74: {  	_ =	shalt  }
0x75: {  	_ =	shalt  }
0x76: {  	_ =	shalt  }
0x77: {  	_ =	shalt  }
0x78: {  	_ =	shalt  }
0x79: {  	_ =	shalt  }
0x7a: {  	_ =	shalt  }
0x7b: {  	_ =	shalt  }
0x7c: {  	_ =	shalt  }
0x7d: {  	_ =	shalt  }
0x7e: {  	_ =	shalt  }
0x7f: {  	_ =	shalt  }
0x80: {  	_ =	shalt  }
0x81: {  	_ =	shalt  }
0x82: {  	_ =	shalt  }
0x83: {  	_ =	shalt  }
0x84: {  	_ =	shalt  }
0x85: {  	_ =	shalt  }
0x86: {  	_ =	shalt  }
0x87: {  	_ =	shalt  }
.Lfunc_end0:
.L_simem_size_0:
called_computation_lowered:
.L_overlay_start_0:
0x88: {  	s2 =	sld [smem:$0x3FD9]  }
0x89: {  	s3 =	sld [smem:$0x3FFE];
	_ =	sdelay $0x1  }
0x8a: {  	s1 =	srdreg.scid  }
0x8b: {  	s0 =	sand.u32 $0x1, s1  }
0x8c: {  	s18 =	sshll.u32 s0, $0xA;
	s2 =	sadd.s32 s3, s2  }
0x8d: {  	s2 =	sadd.s32 s2, s18  }
0x8e: {  	[smem:$0x3FC5] =	sst s2  }
0x8f: {  	_ = 	snop  }
0x90: {  	s2 =	sld [smem:$0x3FC9]  }
0x91: {  	s19 =	sld [smem:$0x3FC8]  }
0x92: {  	s4 =	sld [smem:$0x3FC7]  }
0x93: {  	s5 =	sld [smem:$0x3FD0];
	(tm) =	ssettm $0x1  }
0x94: {  	s6 =	sld [smem:$0x3FFB];
	_ =	sdelay $0x3  }
0x95: {  	_ =	strace s6  }
0x96: {  	s6 =	sld [smem:$0x3FFC];
	_ =	sdelay $0x3  }
0x97: {  	_ =	strace s6  }
0x98: {  	s6 =	sld [smem:$0x3FFD];
	_ =	sdelay $0x3  }
0x99: {  	_ =	strace s6  }
0x9a: {  	_ =	strace $0x8FFFFFFF  }
0x9b: {  	s20 =	sld [smem:$0x3FDB];
	_ =	sdelay $0x1  }
0x9c: {  	s7 =	simm.s32 $_scs_section_size  }
0x9d: {  	s8 =	simm.s32 $_size__tile_overlayer_lowered;
	s9 =	simm.s32 $_tile_overlayer_lowered  }
0x9e: {  	s23 =	simm.s32 $0x1BFF;
	s22 =	sshll.u32 s9, $0x1;
	s6 =	sadd.s32 s7, s20  }
0x9f: {  	s10 =	simm.s32 $0x0;
	s21 =	sshll.u32 s8, $0x1;
	s8 =	sadd.s32 s22, s6  }
0xa0: {  	[timem:s10], [sflag:s23] =	dma.local [hbm:s8], s21  }
0xa1: {  	_ =	swait.ge [sflag:s23], s21  }
0xa2: {  	s7 =	ssub.s32 $0x0, s21;
	[sflag:s23] =	ssyncset.done $0x0  }
0xa3: {  	[sflag:s23] =	ssyncadd.s32 s7;
	_ =	sdelay $0x1  }
0xa4: {  	s24 =	simm.s32 $0x1B8B  }
0xa5: {  	_ =	swait.ge [sflag:s24], $0x1  }
0xa6: {  	[sflag:s24] =	ssyncset.done $0x0  }
0xa7: {  	s25 =	simm.s32 $0x1B8E;
	[sflag:s24] =	ssyncadd.s32 $0xFFFFFFFF  }
0xa8: {  	s26 =	simm.s32 $execute0_lowered;
	[smem:$0x3FD2] =	sst s25  }
0xa9: {  	s7 =	sshll.u32 s26, $0x1;
	_ =	strace $0x80000046;
	[dreg:$0x1] =	wrdreg $0xFFFFFFFF  }
0xaa: {  	s28 =	simm.s32 $_size_execute0_lowered;
	s6 =	sadd.s32 s6, s7;
	[dreg:$0x0] =	wrdreg $0x0  }
0xab: {  	s7 =	sshll.u32 s28, $0x1;
	[dreg:$0x2] =	wrdreg s6  }
0xac: {  	[dreg:$0x3] =	wrdreg s7  }
0xad: {  	[dreg:$0x4] =	wrdreg $0xC0  }
0xae: {  	_ =	task [dreg:s10], $0x5FFFF  }
0xaf: {  	[dreg:$0x1] =	wrdreg $0xFFFFFFFF  }
0xb0: {  	[dreg:$0x0] =	wrdreg $0x60  }
0xb1: {  	[dreg:$0x2] =	wrdreg s2  }
0xb2: {  	[dreg:$0x3] =	wrdreg s19  }
0xb3: {  	[dreg:$0x4] =	wrdreg s4  }
0xb4: {  	[dreg:$0x5] =	wrdreg s5  }
0xb5: {  	[dreg:$0x6] =	wrdreg $0xA8000  }
0xb6: {  	[dreg:$0x7] =	wrdreg $0x9  }
0xb7: {  	_ =	task.clear_ibuf [dreg:s10], $0x8FFFF;
	_ =	strace $0x90000046  }
0xb8: {  	s29 =	simm.s32 $0x9;
	_ =	strace $0x80000048  }
0xb9: {  	_ =	swait.ge [sflag:s29], $0x1  }
0xba: {  	[sflag:s29] =	ssyncadd.s32 $0xFFFFFFFF  }
0xbb: {  	_ =	strace $0x90000048  }
0xbc: {  	_ =	sfence  }
0xbd: {  	s30 =	sld [smem:$0x0];
	_ =	sdelay $0x2  }
0xbe: {  	s31 =	sshll.u32 s1, $0xD;
	s1 =	sshrl.u32 s1, $0x2  }
0xbf: {  	s3 =	sand.u32 $0x4000, s31;
	s1 =	sadd.s32 s1, s30  }
0xc0: {  	s0 =	sor.u32 s3, s0;
	s1 =	sshll.u32 s1, $0x11  }
0xc1: {  	s0 =	sor.u32 s1, s0  }
0xc2: {  	s0 =	sadd.s32 $0x8F2B, s0  }
0xc3: {  	[sflag:s0] =	ssyncadd.remote.s32 $0x1  }
0xc4: {  	_ =	sfence.sel $0xFFFF  }
0xc5: {  	[dreg:$0x0] =	wrdreg $0xFFFFFFFF;
	(pc) =	sbr.abs _section_cstart, $3  }
0xc6: {  	[dreg:$0x1] =	wrdreg $0xFFFFFFFF  }
0xc7: {  	_ =	task.clear_ibuf [dreg:s10], $0x2FFFF;
	_ =	strace $0x9FFFFFFF  }
0xc8: {  	(tm) =	ssettm $0x7FFFFFFF  }
0xc9: {  	_ =	shalt  }
tec
execute0_lowered:
.L_overlay_start_1:
0x0: {  	(tag) =	ssettag $0x1  }
0x1: {  	s1 =	rddreg [dreg:$0x0]  }
0x2: {  	s10 =	rddreg [dreg:$0x1]  }
0x3: {  	s11 =	rddreg [dreg:$0x2]  }
0x4: {  	s14 =	rddreg [dreg:$0x3]  }
0x5: {  	s3 =	rddreg [dreg:$0x4]  }
0x6: {  	s0 =	rddreg [dreg:$0x5]  }
0x7: {  	s4 =	simm.s32 $0x0;
	s5 =	srdreg.scid;
	s2 =	stileid.u32  }
0x8: {  	s18 =	simm.s32 $0x1400;
	s19 =	simm.s32 $0x80;
	s20 =	simm.s32 $0x6800  }
0x9: {  	s21 =	simm.s32 $0x1;
	s22 =	simm.s32 $0x3;
	s23 =	simm.s32 $0x2  }
0xa: {  	s24 =	simm.s32 $0x4;
	s25 =	simm.s32 $0x2780;
	s31 =	smul.u32 $0x4F000, s2  }
0xb: {  	s26 =	simm.s32 $0x0;
	s6 =	sand.u32 $0x1, s5;
	s13 =	smul.u32 $0x2800, s2  }
0xc: {  	[smem:$0x7FF] =	sst s4;
	s17 =	smul.u32 $0x13C00, s2;
	s7 =	ssub.s32 $0x2, s6  }
0xd: {  	_ =	strace $0x80000047;
	s12 =	smul.u32 $0x28000, s6;
	s8 =	sshrl.u32 s7, $0x1  }
0xe: {  	s16 =	smul.u32 $0x13C000, s6;
	s5 =	sshrl.u32 s31, $0x2;
	s15 =	ssub.s32 s7, s8  }
0xf: {  	s5 =	sadd.s32 s5, s3;
	s12 =	sadd.s32 s13, s12;
	s13 =	sshrl.u32 s13, $0x3  }
0x10: {  	s16 =	sadd.s32 s17, s16;
	s17 =	simm.s32 $0x5;
	s6 =	sadd.s32 $0x4000, s5  }
0x11: {  	s7 =	sadd.s32 $0x8000, s5;
	s8 =	sadd.s32 $0xC000, s5;
	s9 =	sadd.s32 $0x10000, s5  }
0x12: {  	s12 =	sshrl.u32 s12, $0x3;
	s11 =	sadd.s32 s11, s13;
	s16 =	sshrl.u32 s16, $0x3  }
0x13: {  	s15 =	smax.u32 s15, $0x1;
	s10 =	sadd.s32 s10, s12;
	s13 =	sadd.s32 $0x280, s11  }
0x14: {  	v0 =	vimm.f32 $0.0e+00;
	s14 =	sadd.s32 s14, s16;
	s16 =	simm.s32 $0x2800;
	s12 =	sadd.s32 $0x280, s10  }
.LBB2_1:
0x15: {  	s28 =	simm.s32 $0x0;
	s29 =	simm.s32 $0x200  }
.LBB2_2:
0x16: {  	p0 =	sne.s32 s29, $0xFE00;
	[tilespmem:s28+$0x2870] =	vst v0  }
0x17: {  	[tilespmem:s28+$0x2800] =	vst v0  }
0x18: {  	[tilespmem:s28+$0x2810] =	vst v0  }
.Ltmp0:
0x19: {  	[tilespmem:s28+$0x2820] =	vst v0;
	(pc) =	sbr.rel @p0 .LBB2_2-.Ltmp0, $4  }
0x1a: {  	[tilespmem:s28+$0x2830] =	vst v0  }
0x1b: {  	[tilespmem:s28+$0x2840] =	vst v0  }
0x1c: {  	[tilespmem:s28+$0x2850] =	vst v0  }
0x1d: {  	[tilespmem:s28+$0x2860] =	vst v0;
	s28 =	sshra.s32 s29, $0x2;
	s29 =	sadd.s32 $0x200, s29  }
0x1e: {  	[tilespmem:s28+$0x2870] =	vst v0  }
0x1f: {  	[tilespmem:s28+$0x2800] =	vst v0  }
0x20: {  	[tilespmem:s28+$0x2810] =	vst v0  }
0x21: {  	[tilespmem:s28+$0x2820] =	vst v0  }
0x22: {  	[tilespmem:s28+$0x2830] =	vst v0  }
0x23: {  	[tilespmem:s28+$0x2840] =	vst v0  }
0x24: {  	[tilespmem:s28+$0x2850] =	vst v0  }
0x25: {  	[tilespmem:s28+$0x2860] =	vst v0  }
0x26: {  	[spmem:s5] =	stream.linear.scatter [tilespmem:s16], [sflag:$0x5], $0x4000, $0x38;
	[tilespmem:$0x1E400] =	vst v63  }
0x27: {  	_ =	swait.ge [sflag:s17], $0x4000  }
0x28: {  	[sflag:s17] =	ssyncset.done $0x0  }
0x29: {  	[sflag:s17] =	ssyncadd.s32 $0xFFFFC000  }
0x2a: {  	[spmem:s6] =	stream.linear.scatter [tilespmem:s16], [sflag:$0x5], $0x4000, $0x38;
	[tilespmem:$0x1E400] =	vst v63  }
0x2b: {  	_ =	swait.ge [sflag:s17], $0x4000  }
0x2c: {  	[sflag:s17] =	ssyncset.done $0x0  }
0x2d: {  	[sflag:s17] =	ssyncadd.s32 $0xFFFFC000  }
0x2e: {  	[spmem:s7] =	stream.linear.scatter [tilespmem:s16], [sflag:$0x5], $0x4000, $0x38;
	[tilespmem:$0x1E400] =	vst v63  }
0x2f: {  	_ =	swait.ge [sflag:s17], $0x4000  }
0x30: {  	[sflag:s17] =	ssyncset.done $0x0  }
0x31: {  	[sflag:s17] =	ssyncadd.s32 $0xFFFFC000  }
0x32: {  	[spmem:s8] =	stream.linear.scatter [tilespmem:s16], [sflag:$0x5], $0x4000, $0x38;
	[tilespmem:$0x1E400] =	vst v63  }
0x33: {  	_ =	swait.ge [sflag:s17], $0x4000  }
0x34: {  	[sflag:s17] =	ssyncset.done $0x0  }
0x35: {  	[sflag:s17] =	ssyncadd.s32 $0xFFFFC000  }
0x36: {  	[spmem:s9] =	stream.linear.scatter [tilespmem:s16], [sflag:$0x5], $0x3C00, $0x38;
	[tilespmem:$0x1E400] =	vst v63  }
0x37: {  	_ =	swait.ge [sflag:s17], $0x3C00  }
0x38: {  	[sflag:s17] =	ssyncset.done $0x0  }
0x39: {  	[sflag:s17] =	ssyncadd.s32 $0xFFFFC400  }
0x3a: {  	[bflag:$0x0] =	sbarrier.arrive $0xFFFF  }
0x3b: {  	[tilespmem:s4], [sflag:$0x5] =	stream.linear.gather [hbm4b:s10+s4], $0x1400, $0x38;
	[tilespmem:$0x1E400] =	vst v63  }
0x3c: {  	_ =	swait.ge [sflag:s17], $0x1400  }
0x3d: {  	[sflag:s17] =	ssyncset.done $0x0  }
0x3e: {  	[sflag:s17] =	ssyncadd.s32 $0xFFFFEC00  }
0x3f: {  	[tilespmem:s18], [sflag:$0x5] =	stream.linear.gather [hbm4b:s11+s4], $0x1400, $0x38;
	[tilespmem:$0x1E400] =	vst v63  }
0x40: {  	_ =	swait.ge [sflag:s17], $0x1400  }
0x41: {  	[sflag:s17] =	ssyncset.done $0x0  }
0x42: {  	[sflag:s17] =	ssyncadd.s32 $0xFFFFEC00  }
0x43: {  	[tilespmem:s16], [sflag:$0x1] =	stream.indirect.gather [hbm4b:s1+s19], $0x80, s4, s19, $0xb8;
	[tilespmem:$0x1E400] =	vst v63  }
0x44: {  	_ = 	snop  }
0x45: {  	[tilespmem:s20], [sflag:$0x2] =	stream.indirect.gather [hbm4b:s1+s19], $0x80, s19, s19, $0xb8;
	[tilespmem:$0x1E400] =	vst v63  }
0x46: {  	_ =	swait.ge [sflag:s21], $0x4000  }
0x47: {  	[sflag:s21] =	ssyncset.done $0x0  }
0x48: {  	[sflag:s21] =	ssyncadd.s32 $0xFFFFC000  }
0x49: {  	[spmem:s3] =	stream.indirect.scatter.add.f32 [tilespmem:s16], [sflag:$0x3], $0x80, s18, s19, $0xb8;
	[tilespmem:$0x1E400] =	vst v63  }
0x4a: {  	_ =	swait.ge [sflag:s22], $0x4000  }
0x4b: {  	[sflag:s22] =	ssyncset.done $0x0  }
0x4c: {  	s28 =	simm.s32 $0x100;
	[sflag:s22] =	ssyncadd.s32 $0xFFFFC000  }
0x4d: {  	[tilespmem:s16], [sflag:$0x1] =	stream.indirect.gather [hbm4b:s1+s19], $0x80, s28, s19, $0xb8;
	[tilespmem:$0x1E400] =	vst v63  }
0x4e: {  	_ =	swait.ge [sflag:s23], $0x4000  }
0x4f: {  	[sflag:s23] =	ssyncset.done $0x0  }
0x50: {  	s28 =	simm.s32 $0x1480;
	[sflag:s23] =	ssyncadd.s32 $0xFFFFC000  }
0x51: {  	[spmem:s3] =	stream.indirect.scatter.add.f32 [tilespmem:s20], [sflag:$0x4], $0x80, s28, s19, $0xb8;
	[tilespmem:$0x1E400] =	vst v63  }
0x52: {  	_ =	swait.ge [sflag:s24], $0x4000  }
0x53: {  	[sflag:s24] =	ssyncset.done $0x0  }
0x54: {  	s28 =	simm.s32 $0x180;
	[sflag:s24] =	ssyncadd.s32 $0xFFFFC000  }
0x55: {  	[tilespmem:s20], [sflag:$0x2] =	stream.indirect.gather [hbm4b:s1+s19], $0x80, s28, s19, $0xb8;
	[tilespmem:$0x1E400] =	vst v63  }
0x56: {  	_ =	swait.ge [sflag:s21], $0x4000  }
0x57: {  	[sflag:s21] =	ssyncset.done $0x0  }
0x58: {  	s29 =	simm.s32 $0x1500;
	s28 =	simm.s32 $0xFFFFB800;
	[sflag:s21] =	ssyncadd.s32 $0xFFFFC000  }
.LBB2_4:
0x59: {  	[spmem:s3] =	stream.indirect.scatter.add.f32 [tilespmem:s16], [sflag:$0x3], $0x80, s29, s19, $0xb8;
	[tilespmem:$0x1E400] =	vst v63  }
0x5a: {  	s29 =	smov.u32 s28  }
0x5b: {  	p0 =	sne.s32 s28, $0xFFFFFC00;
	s28 =	sadd.s32 $0x400, s28;
	_ =	swait.ge [sflag:s22], $0x4000  }
0x5c: {  	s29 =	sshra.s32 s29, $0x2;
	[sflag:s22] =	ssyncset.done $0x0  }
0x5d: {  	s30 =	sadd.s32 $0x1400, s29;
	[sflag:s22] =	ssyncadd.s32 $0xFFFFC000  }
0x5e: {  	[tilespmem:s16], [sflag:$0x1] =	stream.indirect.gather [hbm4b:s1+s19], $0x80, s30, s19, $0xb8;
	[tilespmem:$0x1E400] =	vst v63  }
0x5f: {  	_ =	swait.ge [sflag:s23], $0x4000  }
0x60: {  	[sflag:s23] =	ssyncset.done $0x0  }
0x61: {  	s30 =	sadd.s32 $0x2780, s29;
	[sflag:s23] =	ssyncadd.s32 $0xFFFFC000  }
0x62: {  	[spmem:s3] =	stream.indirect.scatter.add.f32 [tilespmem:s20], [sflag:$0x4], $0x80, s30, s19, $0xb8;
	[tilespmem:$0x1E400] =	vst v63  }
0x63: {  	_ =	swait.ge [sflag:s24], $0x4000  }
0x64: {  	[sflag:s24] =	ssyncset.done $0x0  }
.Ltmp1:
0x65: {  	s30 =	sadd.s32 $0x1480, s29;
	[sflag:s24] =	ssyncadd.s32 $0xFFFFC000;
	(pc) =	sbr.rel @p0 .LBB2_4-.Ltmp1, $4  }
0x66: {  	[tilespmem:s20], [sflag:$0x2] =	stream.indirect.gather [hbm4b:s1+s19], $0x80, s30, s19, $0xb8;
	[tilespmem:$0x1E400] =	vst v63  }
0x67: {  	_ =	swait.ge [sflag:s21], $0x4000  }
0x68: {  	[sflag:s21] =	ssyncset.done $0x0  }
0x69: {  	s29 =	sadd.s32 $0x2800, s29;
	[sflag:s21] =	ssyncadd.s32 $0xFFFFC000  }
0x6a: {  	[spmem:s3] =	stream.indirect.scatter.add.f32 [tilespmem:s16], [sflag:$0x3], $0x80, s29, s19, $0xb8;
	[tilespmem:$0x1E400] =	vst v63  }
0x6b: {  	_ =	swait.ge [sflag:s23], $0x4000  }
0x6c: {  	[sflag:s23] =	ssyncset.done $0x0  }
0x6d: {  	[sflag:s23] =	ssyncadd.s32 $0xFFFFC000  }
0x6e: {  	[spmem:s3] =	stream.indirect.scatter.add.f32 [tilespmem:s20], [sflag:$0x4], $0x80, s25, s19, $0xb8;
	[tilespmem:$0x1E400] =	vst v63  }
0x6f: {  	_ =	swait.ge [sflag:s22], $0x4000  }
0x70: {  	[sflag:s22] =	ssyncset.done $0x0  }
0x71: {  	[sflag:s22] =	ssyncadd.s32 $0xFFFFC000  }
0x72: {  	_ =	swait.ge [sflag:s24], $0x4000  }
0x73: {  	[sflag:s24] =	ssyncset.done $0x0  }
0x74: {  	[sflag:s24] =	ssyncadd.s32 $0xFFFFC000  }
0x75: {  	[tilespmem:s4], [sflag:$0x5] =	stream.linear.gather [hbm4b:s12+s4], $0x1400, $0x38;
	[tilespmem:$0x1E400] =	vst v63  }
0x76: {  	_ =	swait.ge [sflag:s17], $0x1400  }
0x77: {  	[sflag:s17] =	ssyncset.done $0x0  }
0x78: {  	[sflag:s17] =	ssyncadd.s32 $0xFFFFEC00  }
0x79: {  	[tilespmem:s18], [sflag:$0x5] =	stream.linear.gather [hbm4b:s13+s4], $0x1400, $0x38;
	[tilespmem:$0x1E400] =	vst v63  }
0x7a: {  	_ =	swait.ge [sflag:s17], $0x1400  }
0x7b: {  	[sflag:s17] =	ssyncset.done $0x0  }
0x7c: {  	[sflag:s17] =	ssyncadd.s32 $0xFFFFEC00  }
0x7d: {  	[tilespmem:s16], [sflag:$0x1] =	stream.indirect.gather [hbm4b:s1+s19], $0x80, s4, s19, $0xb8;
	[tilespmem:$0x1E400] =	vst v63  }
0x7e: {  	_ = 	snop  }
0x7f: {  	[tilespmem:s20], [sflag:$0x2] =	stream.indirect.gather [hbm4b:s1+s19], $0x80, s19, s19, $0xb8;
	[tilespmem:$0x1E400] =	vst v63  }
0x80: {  	_ =	swait.ge [sflag:s21], $0x4000  }
0x81: {  	[sflag:s21] =	ssyncset.done $0x0  }
0x82: {  	[sflag:s21] =	ssyncadd.s32 $0xFFFFC000  }
0x83: {  	[spmem:s3] =	stream.indirect.scatter.add.f32 [tilespmem:s16], [sflag:$0x3], $0x80, s18, s19, $0xb8;
	[tilespmem:$0x1E400] =	vst v63  }
0x84: {  	_ =	swait.ge [sflag:s22], $0x4000  }
0x85: {  	[sflag:s22] =	ssyncset.done $0x0  }
0x86: {  	s28 =	simm.s32 $0x100;
	[sflag:s22] =	ssyncadd.s32 $0xFFFFC000  }
0x87: {  	[tilespmem:s16], [sflag:$0x1] =	stream.indirect.gather [hbm4b:s1+s19], $0x80, s28, s19, $0xb8;
	[tilespmem:$0x1E400] =	vst v63  }
0x88: {  	_ =	swait.ge [sflag:s23], $0x4000  }
0x89: {  	[sflag:s23] =	ssyncset.done $0x0  }
0x8a: {  	s28 =	simm.s32 $0x1480;
	[sflag:s23] =	ssyncadd.s32 $0xFFFFC000  }
0x8b: {  	[spmem:s3] =	stream.indirect.scatter.add.f32 [tilespmem:s20], [sflag:$0x4], $0x80, s28, s19, $0xb8;
	[tilespmem:$0x1E400] =	vst v63  }
0x8c: {  	_ =	swait.ge [sflag:s24], $0x4000  }
0x8d: {  	[sflag:s24] =	ssyncset.done $0x0  }
0x8e: {  	s28 =	simm.s32 $0x180;
	[sflag:s24] =	ssyncadd.s32 $0xFFFFC000  }
0x8f: {  	[tilespmem:s20], [sflag:$0x2] =	stream.indirect.gather [hbm4b:s1+s19], $0x80, s28, s19, $0xb8;
	[tilespmem:$0x1E400] =	vst v63  }
0x90: {  	_ =	swait.ge [sflag:s21], $0x4000  }
0x91: {  	[sflag:s21] =	ssyncset.done $0x0  }
0x92: {  	s29 =	simm.s32 $0x1500;
	s28 =	simm.s32 $0xFFFFB800;
	[sflag:s21] =	ssyncadd.s32 $0xFFFFC000  }
.LBB2_6:
0x93: {  	[spmem:s3] =	stream.indirect.scatter.add.f32 [tilespmem:s16], [sflag:$0x3], $0x80, s29, s19, $0xb8;
	[tilespmem:$0x1E400] =	vst v63  }
0x94: {  	s29 =	smov.u32 s28  }
0x95: {  	p0 =	sne.s32 s28, $0xFFFFFC00;
	s28 =	sadd.s32 $0x400, s28;
	_ =	swait.ge [sflag:s22], $0x4000  }
0x96: {  	s29 =	sshra.s32 s29, $0x2;
	[sflag:s22] =	ssyncset.done $0x0  }
0x97: {  	s30 =	sadd.s32 $0x1400, s29;
	[sflag:s22] =	ssyncadd.s32 $0xFFFFC000  }
0x98: {  	[tilespmem:s16], [sflag:$0x1] =	stream.indirect.gather [hbm4b:s1+s19], $0x80, s30, s19, $0xb8;
	[tilespmem:$0x1E400] =	vst v63  }
0x99: {  	_ =	swait.ge [sflag:s23], $0x4000  }
0x9a: {  	[sflag:s23] =	ssyncset.done $0x0  }
0x9b: {  	s30 =	sadd.s32 $0x2780, s29;
	[sflag:s23] =	ssyncadd.s32 $0xFFFFC000  }
0x9c: {  	[spmem:s3] =	stream.indirect.scatter.add.f32 [tilespmem:s20], [sflag:$0x4], $0x80, s30, s19, $0xb8;
	[tilespmem:$0x1E400] =	vst v63  }
0x9d: {  	_ =	swait.ge [sflag:s24], $0x4000  }
0x9e: {  	[sflag:s24] =	ssyncset.done $0x0  }
.Ltmp2:
0x9f: {  	s30 =	sadd.s32 $0x1480, s29;
	[sflag:s24] =	ssyncadd.s32 $0xFFFFC000;
	(pc) =	sbr.rel @p0 .LBB2_6-.Ltmp2, $4  }
0xa0: {  	[tilespmem:s20], [sflag:$0x2] =	stream.indirect.gather [hbm4b:s1+s19], $0x80, s30, s19, $0xb8;
	[tilespmem:$0x1E400] =	vst v63  }
0xa1: {  	_ =	swait.ge [sflag:s21], $0x4000  }
0xa2: {  	[sflag:s21] =	ssyncset.done $0x0  }
0xa3: {  	s29 =	sadd.s32 $0x2800, s29;
	[sflag:s21] =	ssyncadd.s32 $0xFFFFC000  }
0xa4: {  	[spmem:s3] =	stream.indirect.scatter.add.f32 [tilespmem:s16], [sflag:$0x3], $0x80, s29, s19, $0xb8;
	[tilespmem:$0x1E400] =	vst v63  }
0xa5: {  	_ =	swait.ge [sflag:s23], $0x4000  }
0xa6: {  	[sflag:s23] =	ssyncset.done $0x0  }
0xa7: {  	[sflag:s23] =	ssyncadd.s32 $0xFFFFC000  }
0xa8: {  	[spmem:s3] =	stream.indirect.scatter.add.f32 [tilespmem:s20], [sflag:$0x4], $0x80, s25, s19, $0xb8;
	[tilespmem:$0x1E400] =	vst v63  }
0xa9: {  	_ =	swait.ge [sflag:s22], $0x4000  }
0xaa: {  	[sflag:s22] =	ssyncset.done $0x0  }
0xab: {  	[sflag:s22] =	ssyncadd.s32 $0xFFFFC000  }
0xac: {  	_ =	swait.ge [sflag:s24], $0x4000  }
0xad: {  	s28 =	sshll.u32 s2, $0x6;
	s26 =	sadd.s32 $0x1, s26;
	[sflag:s24] =	ssyncset.done $0x0  }
0xae: {  	s31 =	sshrl.u32 s5, $0x3;
	p0 =	sne.s32 s26, s15;
	[sflag:s24] =	ssyncadd.s32 $0xFFFFC000  }
.Ltmp3:
0xaf: {  	s28 =	sor.u32 $0x1C05, s28;
	[bflag:$0x0] =	sbarrier.arrive $0xFFFF;
	(pc) =	sbr.rel @p0 .LBB2_1-.Ltmp3, $4  }
0xb0: {  	[hbm:s14], [sflag:s28] =	dma.local [spmem:s31], $0x2780  }
0xb1: {  	_ =	swait.ge [sflag:s17], $0x2780  }
0xb2: {  	[sflag:s17] =	ssyncset.done $0x0  }
0xb3: {  	[sflag:s17] =	ssyncadd.s32 $0xFFFFD880  }
0xb4: {  	_ =	sfence.sel $0x180000  }
0xb5: {  	[bflag:$0x0] =	sbarrier.arrive $0xFFFF  }
0xb6: {  	p0 =	sne.s32 s2, $0x0;
	_ =	strace $0x90000047  }
0xb7: {  	s0 =	sadd.s32 @!p0 $0x100000, s0;
	[bflag:$0x2] =	sbarrier.arrive $0xFFFF  }
0xb8: {  	[sflag:s0] =	ssyncadd.tile.s32 @!p0 $0x1;
	_ =	shalt  }
.Lfunc_end2:
_tile_overlayer_lowered:
.L_overlay_start_2:
0xb9: {  	(tag) =	ssettag $0x2  }
0xba: {  	s0 =	rddreg [dreg:$0x0];
	s2 =	stileid.u32  }
0xbb: {  	s1 =	rddreg [dreg:$0x1];
	p0 =	sne.s32 s2, $0x0  }
0xbc: {  	s3 =	rddreg [dreg:$0x2];
	[bflag:$0x3] =	sbarrier.arrive $0xFFFF;
	s2 =	simm.s32 @!p0 $0x1C05  }
0xbd: {  	[timem:s3], [sflag:s2] =	dma.local @!p0 [hbm:s0], s1  }
0xbe: {  	s0 =	simm.s32 @!p0 $0x5  }
0xbf: {  	_ =	swait.ge @!p0 [sflag:s0], s1  }
0xc0: {  	s1 =	ssub.s32 @!p0 $0x0, s1;
	[sflag:s0] =	ssyncset.done @!p0 $0x0  }
0xc1: {  	[sflag:s0] =	ssyncadd.s32 @!p0 s1  }
0xc2: {  	[bflag:$0x3] =	sbarrier.arrive $0xFFFF  }
0xc3: {  	_ =	shalt  }

</sc_bundles>
